<compile_context>
chip_gen: v7x
topology: tpu7x:2x2x1
jax: 0.10.2.dev20260603
libtpu: 0.0.44.dev20260713+nightly
codegen_flags: <defaults>
</compile_context>

<pallas_src>
import functools

import jax
import jax.numpy as jnp
from jax import lax
from jax.experimental import pallas as pl
from jax.experimental.pallas import tpu as pltpu
from jax.experimental.pallas import tpu_sc as plsc

ALPHA = 3.0
K = 30


def _adj_body(adj_ref, scored_ref, adjm_ref, rsum_ref):
    adj = adj_ref[...]
    scored = scored_ref[...]
    rb = adj.shape[0]
    lo = jnp.zeros((rb, 1), jnp.float32)
    hi = jnp.full((rb, 1), 1.02, jnp.float32)
    for _ in range(33):
        mid = 0.5 * (lo + hi)
        cnt = jnp.sum(jnp.where(scored > mid, 1.0, 0.0), axis=1,
                      keepdims=True)
        pred = cnt >= K
        lo = jnp.where(pred, mid, lo)
        hi = jnp.where(pred, hi, mid)
    t = hi
    gt = scored > t
    cg = jnp.sum(jnp.where(gt, 1.0, 0.0), axis=1, keepdims=True)
    ties = scored == t
    need = K - cg
    n = adj.shape[1]
    col = jax.lax.broadcasted_iota(jnp.int32, (rb, n), 1)
    clo = jnp.full((rb, 1), -1, jnp.int32)
    chi = jnp.full((rb, 1), n - 1, jnp.int32)
    for _ in range(11):
        cmid = (clo + chi) // 2
        c = jnp.sum(jnp.where(ties & (col <= cmid), 1.0, 0.0), axis=1,
                    keepdims=True)
        pred = c >= need
        chi = jnp.where(pred, cmid, chi)
        clo = jnp.where(pred, clo, cmid)
    sel = gt | (ties & (col <= chi))
    adjm = jnp.where(sel, adj, 0.0)
    adjm_ref[...] = adjm
    rsum_ref[...] = jnp.sum(adjm, axis=1, keepdims=True) + 1.0


def _scale_body(adjm_ref, normr_ref, normc_ref, ann_ref, *, rblk):
    r0 = pl.program_id(0) * rblk
    blk = adjm_ref[...]
    nrows, ncols = blk.shape
    rowi = jax.lax.broadcasted_iota(jnp.int32, (nrows, ncols), 0) + r0
    coli = jax.lax.broadcasted_iota(jnp.int32, (nrows, ncols), 1)
    a2 = blk + jnp.where(rowi == coli, 1.0, 0.0)
    ann_ref[...] = (normr_ref[...] * a2 * normc_ref[...]).astype(
        ann_ref.dtype)


def _prop_body(x_ref, ann_ref, d1w_ref, d1b_ref, d2w_ref, d2b_ref, out_ref,
               *, bs):
    ann = ann_ref[...]
    dn = (((1,), (1,)), ((), ()))
    h1s = []
    for k in range(bs):
        xk = x_ref[k]
        y1 = jnp.dot(d1w_ref[...], xk, preferred_element_type=jnp.float32)
        h1s.append(y1 + d1b_ref[...])
    h1 = jnp.concatenate(h1s, axis=0).astype(ann.dtype)
    z1 = jnp.maximum(
        jax.lax.dot_general(h1, ann, dn,
                            preferred_element_type=jnp.float32), 0.0)
    w1 = d1w_ref.shape[0]
    h2s = []
    for k in range(bs):
        z1k = z1[k * w1:(k + 1) * w1]
        y2 = jnp.dot(d2w_ref[...], z1k, preferred_element_type=jnp.float32)
        h2s.append(y2 + d2b_ref[...])
    h2 = jnp.concatenate(h2s, axis=0).astype(ann.dtype)
    z2 = jnp.maximum(
        jax.lax.dot_general(h2, ann, dn,
                            preferred_element_type=jnp.float32), 0.0)
    w2 = d2w_ref.shape[0]
    for k in range(bs):
        out_ref[k] = z2[k * w2:(k + 1) * w2]


def _sc_gather_embeddings(e1, e2, idx):
    n, w = e1.shape
    info = plsc.get_sparse_core_info()
    nw = info.num_cores * info.num_subcores
    npad = -(-n // (8 * nw)) * (8 * nw)
    b_per_w = npad // nw
    idx_pad = jnp.concatenate(
        [idx.astype(jnp.int32), jnp.zeros((npad - n,), jnp.int32)])
    mesh = plsc.VectorSubcoreMesh(core_axis_name="c", subcore_axis_name="s")

    @functools.partial(
        pl.kernel, mesh=mesh,
        out_type=(jax.ShapeDtypeStruct((npad, w), jnp.float32),
                  jax.ShapeDtypeStruct((npad, w), jnp.float32)),
        scratch_types=[
            pltpu.VMEM((b_per_w,), jnp.int32),
            pltpu.VMEM((b_per_w, w), jnp.float32),
            pltpu.SemaphoreType.DMA,
        ],
    )
    def gather(e1_hbm, e2_hbm, idx_hbm, o1_hbm, o2_hbm, idx_v, rows_v, sem):
        wid = lax.axis_index("s") * info.num_cores + lax.axis_index("c")
        base = wid * b_per_w
        pltpu.sync_copy(idx_hbm.at[pl.ds(base, b_per_w)], idx_v)
        pltpu.async_copy(e1_hbm.at[idx_v], rows_v, sem).wait()
        pltpu.sync_copy(rows_v, o1_hbm.at[pl.ds(base, b_per_w)])
        pltpu.async_copy(e2_hbm.at[idx_v], rows_v, sem).wait()
        pltpu.sync_copy(rows_v, o2_hbm.at[pl.ds(base, b_per_w)])

    g1, g2 = gather(e1, e2, idx_pad)
    return g1[:n], g2[:n]


def kernel(x, e1, e2, l1_w, l1_b, l2_w, l2_b, d1_w, d1_b, d2_w, d2_b, idx):
    n, w = e1.shape
    b = x.shape[0]
    w1 = d1_w.shape[0]
    w2 = d2_w.shape[0]

    e1g, e2g = _sc_gather_embeddings(e1, e2, idx)
    noise = jax.random.uniform(jax.random.key(12345), (n, n),
                               dtype=jnp.float32) * 0.01

    m1 = jnp.tanh(ALPHA * (e1g @ l1_w.T + l1_b))
    m2 = jnp.tanh(ALPHA * (e2g @ l2_w.T + l2_b))
    adj = jax.nn.relu(jnp.tanh(ALPHA * (m1 @ m2.T)))
    scored = adj + noise

    rblk = n // 5 if n % 5 == 0 and (n // 5) % 8 == 0 else n
    grid_r = n // rblk
    adjm, rsum = pl.pallas_call(
        _adj_body,
        grid=(grid_r,),
        in_specs=[
            pl.BlockSpec((rblk, n), lambda i: (i, 0)),
            pl.BlockSpec((rblk, n), lambda i: (i, 0)),
        ],
        out_specs=(pl.BlockSpec((rblk, n), lambda i: (i, 0)),
                   pl.BlockSpec((rblk, 1), lambda i: (i, 0))),
        out_shape=(jax.ShapeDtypeStruct((n, n), jnp.float32),
                   jax.ShapeDtypeStruct((n, 1), jnp.float32)),
    )(adj, scored)

    norm = jax.lax.rsqrt(rsum)

    ann = pl.pallas_call(
        functools.partial(_scale_body, rblk=rblk),
        grid=(grid_r,),
        in_specs=[
            pl.BlockSpec((rblk, n), lambda i: (i, 0)),
            pl.BlockSpec((rblk, 1), lambda i: (i, 0)),
            pl.BlockSpec((1, n), lambda i: (0, 0)),
        ],
        out_specs=pl.BlockSpec((rblk, n), lambda i: (i, 0)),
        out_shape=jax.ShapeDtypeStruct((n, n), jnp.bfloat16),
    )(adjm, norm, norm.reshape(1, n))

    bs = 4 if b % 4 == 0 else 1
    out = pl.pallas_call(
        functools.partial(_prop_body, bs=bs),
        grid=(b // bs,),
        in_specs=[
            pl.BlockSpec((bs, w, n), lambda i: (i, 0, 0)),
            pl.BlockSpec((n, n), lambda i: (0, 0)),
            pl.BlockSpec((w1, w), lambda i: (0, 0)),
            pl.BlockSpec((w1, 1), lambda i: (0, 0)),
            pl.BlockSpec((w2, w1), lambda i: (0, 0)),
            pl.BlockSpec((w2, 1), lambda i: (0, 0)),
        ],
        out_specs=pl.BlockSpec((bs, w2, n), lambda i: (i, 0, 0)),
        out_shape=jax.ShapeDtypeStruct((b, w2, n), jnp.float32),
    )(x, ann, d1_w, d1_b.reshape(w1, 1), d2_w, d2_b.reshape(w2, 1))

    return jnp.transpose(out, (0, 2, 1))

# --- scband reference (transcript-rebuilt; emitter-appended) ---
"""Pipeline reference for scband-gnnencoder-30666066493963 (READ-ONLY COPY).

The authoritative reference and input builder live on the scoring server;
editing this copy changes nothing except your own understanding.
"""

import jax, jax.numpy as jnp
import numpy as np

N = 2000
W = 256
ALPHA = 3.0
K = 30
B = 64


def setup_inputs(seed: int = 0) -> dict:
    key = jax.random.key(seed)
    ks = jax.random.split(key, 8)
    def nrm(k, shape, s=0.02):
        return jax.random.normal(k, shape, dtype=jnp.float32) * s
    return {
        "x": jax.random.normal(ks[0], (B, W, N), dtype=jnp.float32),
        "e1": nrm(ks[1], (N, W), 1.0),
        "e2": nrm(ks[2], (N, W), 1.0),
        "l1_w": nrm(ks[3], (W, W)),
        "l1_b": jnp.zeros((W,), jnp.float32),
        "l2_w": nrm(ks[4], (W, W)),
        "l2_b": jnp.zeros((W,), jnp.float32),
        "d1_w": nrm(ks[5], (W // 2, W)),
        "d1_b": jnp.zeros((W // 2,), jnp.float32),
        "d2_w": nrm(ks[6], (W // 8, W // 2)),
        "d2_b": jnp.zeros((W // 8,), jnp.float32),
        "idx": jnp.arange(N, dtype=jnp.int32),
    }


def _directed_a(e1, e2, l1_w, l1_b, l2_w, l2_b, idx):
    E1 = jnp.take(e1, idx, axis=0)
    E2 = jnp.take(e2, idx, axis=0)
    m1 = jnp.tanh(ALPHA * (E1 @ l1_w.T + l1_b))
    m2 = jnp.tanh(ALPHA * (E2 @ l2_w.T + l2_b))
    adj = jax.nn.relu(jnp.tanh(ALPHA * (m1 @ m2.T)))
    # top-k sparsification with small random tie-breaking noise (fixed key for determinism)
    noise = jax.random.uniform(jax.random.key(12345), adj.shape, dtype=jnp.float32) * 0.01
    _, t1 = jax.lax.top_k(adj + noise, K)
    rows = jnp.arange(adj.shape[0])[:, None]
    mask = jnp.zeros_like(adj).at[rows, t1].set(1.0)
    return adj * mask


def _gc_layer(adj, h, w, b):
    a2 = adj + jnp.eye(adj.shape[0], dtype=adj.dtype)
    h = h @ w.T + b
    norm = jnp.sum(a2, axis=1) ** (-0.5)
    an = norm[None, :] * a2 * norm[:, None]
    return jnp.einsum('ij,bjd->bid', an, h)


def reference(x, e1, e2, l1_w, l1_b, l2_w, l2_b, d1_w, d1_b, d2_w, d2_b, idx):
    xt = jnp.transpose(x, (0, 2, 1))  # [B, N, W]
    adj = _directed_a(e1, e2, l1_w, l1_b, l2_w, l2_b, idx)
    h = jax.nn.relu(_gc_layer(adj, xt, d1_w, d1_b))
    h = jax.nn.relu(_gc_layer(adj, h, d2_w, d2_b))
    return h

if __name__ == "__main__":
    import jax
    _d = setup_inputs()
    print(jax.jit(kernel)(*tuple(_d.values())))

</pallas_src>

<mosaic_0001>
#map = affine_map<(d0, d1) -> (0, 0)>
#map1 = affine_map<(d0, d1) -> (0)>
module attributes {stable_mosaic.version = 14 : i64} {
  func.func @gather(%arg0: i32, %arg1: i32, %arg2: memref<2000x256xf32, #tpu.memory_space<hbm>>, %arg3: memref<2000x256xf32, #tpu.memory_space<hbm>>, %arg4: memref<2048xi32, #tpu.memory_space<hbm>>, %arg5: memref<2048x256xf32, #tpu.memory_space<hbm>>, %arg6: memref<2048x256xf32, #tpu.memory_space<hbm>>, %arg7: memref<64xi32, #tpu.memory_space<vmem>>, %arg8: memref<64x256xf32, #tpu.memory_space<vmem>>, %arg9: memref<!tpu.dma_semaphore, #tpu.memory_space<semaphore_mem>>) attributes {dimension_semantics = [#tpu.dimension_semantics<core_parallel>, #tpu.dimension_semantics<subcore_parallel>], iteration_bounds = array<i64: 2, 16>, scalar_prefetch = 0 : i64, scratch_operands = 3 : i64, tpu.core_type = #tpu.core_type<sc_vector_subcore>, window_params = [{transform_indices = #map}, {transform_indices = #map}, {transform_indices = #map1}, {transform_indices = #map}, {transform_indices = #map}]} {
    %mul3A = arith.constant 2 : i32
    %mul3A_0 = arith.muli %arg1, %mul3A : i32
    %add3A = arith.addi %mul3A_0, %arg0 : i32
    %mul3A_1 = arith.constant 64 : i32
    %mul3A_2 = arith.muli %add3A, %mul3A_1 : i32
    "tpu.region"() ({
      %run_scoped3A = tpu.sem_alloc : memref<!tpu.dma_semaphore, #tpu.memory_space<semaphore_mem>>
      %dma_start3A_13 = tpu.memref_slice %arg4[%mul3A_2] : memref<2048xi32, #tpu.memory_space<hbm>> -> memref<64xi32, #tpu.memory_space<hbm>>
      %dma_start3A_14 = tpu.memref_slice %arg4[%mul3A_2] : memref<2048xi32, #tpu.memory_space<hbm>> -> memref<64xi32, #tpu.memory_space<hbm>>
      tpu.enqueue_dma source(%dma_start3A_14 : memref<64xi32, #tpu.memory_space<hbm>>) target(%arg7 : memref<64xi32, #tpu.memory_space<vmem>>) target_semaphore(%run_scoped3A : memref<!tpu.dma_semaphore, #tpu.memory_space<semaphore_mem>>)
      %dma_wait3A_15 = tpu.memref_slice %arg4[%mul3A_2] : memref<2048xi32, #tpu.memory_space<hbm>> -> memref<64xi32, #tpu.memory_space<hbm>>
      %dma_wait3A_16 = tpu.memref_slice %arg4[%mul3A_2] : memref<2048xi32, #tpu.memory_space<hbm>> -> memref<64xi32, #tpu.memory_space<hbm>>
      tpu.wait_dma2 semaphore(%run_scoped3A : memref<!tpu.dma_semaphore, #tpu.memory_space<semaphore_mem>>) src(%dma_wait3A_16 : memref<64xi32, #tpu.memory_space<hbm>>) dst(%arg7 : memref<64xi32, #tpu.memory_space<vmem>>)
      tpu.yield
    }) : () -> ()
    %dma_start3A = arith.constant 0 : i32
    %dma_start3A_3 = arith.constant 0 : i32
    %dma_start3A_4 = tpu.memref_slice %arg2[%dma_start3A, %dma_start3A_3] : memref<2000x256xf32, #tpu.memory_space<hbm>> -> memref<2000x256xf32, #tpu.memory_space<hbm>>
    tpu.enqueue_indirect_dma source(%dma_start3A_4 : memref<2000x256xf32, #tpu.memory_space<hbm>>) target(%arg8 : memref<64x256xf32, #tpu.memory_space<vmem>>) offsets(%arg7 : memref<64xi32, #tpu.memory_space<vmem>>) semaphore(%arg9 : memref<!tpu.dma_semaphore, #tpu.memory_space<semaphore_mem>>)
    %dma_wait3A = arith.constant 0 : i32
    %dma_wait3A_5 = arith.constant 0 : i32
    %dma_wait3A_6 = tpu.memref_slice %arg2[%dma_wait3A, %dma_wait3A_5] : memref<2000x256xf32, #tpu.memory_space<hbm>> -> memref<2000x256xf32, #tpu.memory_space<hbm>>
    tpu.wait_indirect_dma semaphore(%arg9 : memref<!tpu.dma_semaphore, #tpu.memory_space<semaphore_mem>>) src(%dma_wait3A_6 : memref<2000x256xf32, #tpu.memory_space<hbm>>) dst(%arg8 : memref<64x256xf32, #tpu.memory_space<vmem>>)
    "tpu.region"() ({
      %run_scoped3A = tpu.sem_alloc : memref<!tpu.dma_semaphore, #tpu.memory_space<semaphore_mem>>
      %dma_start3A_13 = arith.constant 0 : i32
      %dma_start3A_14 = tpu.memref_slice %arg5[%mul3A_2, %dma_start3A_13] : memref<2048x256xf32, #tpu.memory_space<hbm>> -> memref<64x256xf32, #tpu.memory_space<hbm>>
      %dma_start3A_15 = arith.constant 0 : i32
      %dma_start3A_16 = tpu.memref_slice %arg5[%mul3A_2, %dma_start3A_15] : memref<2048x256xf32, #tpu.memory_space<hbm>> -> memref<64x256xf32, #tpu.memory_space<hbm>>
      tpu.enqueue_dma source(%arg8 : memref<64x256xf32, #tpu.memory_space<vmem>>) target(%dma_start3A_16 : memref<64x256xf32, #tpu.memory_space<hbm>>) target_semaphore(%run_scoped3A : memref<!tpu.dma_semaphore, #tpu.memory_space<semaphore_mem>>)
      %dma_wait3A_17 = arith.constant 0 : i32
      %dma_wait3A_18 = tpu.memref_slice %arg5[%mul3A_2, %dma_wait3A_17] : memref<2048x256xf32, #tpu.memory_space<hbm>> -> memref<64x256xf32, #tpu.memory_space<hbm>>
      %dma_wait3A_19 = arith.constant 0 : i32
      %dma_wait3A_20 = tpu.memref_slice %arg5[%mul3A_2, %dma_wait3A_19] : memref<2048x256xf32, #tpu.memory_space<hbm>> -> memref<64x256xf32, #tpu.memory_space<hbm>>
      tpu.wait_dma2 semaphore(%run_scoped3A : memref<!tpu.dma_semaphore, #tpu.memory_space<semaphore_mem>>) src(%arg8 : memref<64x256xf32, #tpu.memory_space<vmem>>) dst(%dma_wait3A_20 : memref<64x256xf32, #tpu.memory_space<hbm>>)
      tpu.yield
    }) : () -> ()
    %dma_start3A_7 = arith.constant 0 : i32
    %dma_start3A_8 = arith.constant 0 : i32
    %dma_start3A_9 = tpu.memref_slice %arg3[%dma_start3A_7, %dma_start3A_8] : memref<2000x256xf32, #tpu.memory_space<hbm>> -> memref<2000x256xf32, #tpu.memory_space<hbm>>
    tpu.enqueue_indirect_dma source(%dma_start3A_9 : memref<2000x256xf32, #tpu.memory_space<hbm>>) target(%arg8 : memref<64x256xf32, #tpu.memory_space<vmem>>) offsets(%arg7 : memref<64xi32, #tpu.memory_space<vmem>>) semaphore(%arg9 : memref<!tpu.dma_semaphore, #tpu.memory_space<semaphore_mem>>)
    %dma_wait3A_10 = arith.constant 0 : i32
    %dma_wait3A_11 = arith.constant 0 : i32
    %dma_wait3A_12 = tpu.memref_slice %arg3[%dma_wait3A_10, %dma_wait3A_11] : memref<2000x256xf32, #tpu.memory_space<hbm>> -> memref<2000x256xf32, #tpu.memory_space<hbm>>
    tpu.wait_indirect_dma semaphore(%arg9 : memref<!tpu.dma_semaphore, #tpu.memory_space<semaphore_mem>>) src(%dma_wait3A_12 : memref<2000x256xf32, #tpu.memory_space<hbm>>) dst(%arg8 : memref<64x256xf32, #tpu.memory_space<vmem>>)
    "tpu.region"() ({
      %run_scoped3A = tpu.sem_alloc : memref<!tpu.dma_semaphore, #tpu.memory_space<semaphore_mem>>
      %dma_start3A_13 = arith.constant 0 : i32
      %dma_start3A_14 = tpu.memref_slice %arg6[%mul3A_2, %dma_start3A_13] : memref<2048x256xf32, #tpu.memory_space<hbm>> -> memref<64x256xf32, #tpu.memory_space<hbm>>
      %dma_start3A_15 = arith.constant 0 : i32
      %dma_start3A_16 = tpu.memref_slice %arg6[%mul3A_2, %dma_start3A_15] : memref<2048x256xf32, #tpu.memory_space<hbm>> -> memref<64x256xf32, #tpu.memory_space<hbm>>
      tpu.enqueue_dma source(%arg8 : memref<64x256xf32, #tpu.memory_space<vmem>>) target(%dma_start3A_16 : memref<64x256xf32, #tpu.memory_space<hbm>>) target_semaphore(%run_scoped3A : memref<!tpu.dma_semaphore, #tpu.memory_space<semaphore_mem>>)
      %dma_wait3A_17 = arith.constant 0 : i32
      %dma_wait3A_18 = tpu.memref_slice %arg6[%mul3A_2, %dma_wait3A_17] : memref<2048x256xf32, #tpu.memory_space<hbm>> -> memref<64x256xf32, #tpu.memory_space<hbm>>
      %dma_wait3A_19 = arith.constant 0 : i32
      %dma_wait3A_20 = tpu.memref_slice %arg6[%mul3A_2, %dma_wait3A_19] : memref<2048x256xf32, #tpu.memory_space<hbm>> -> memref<64x256xf32, #tpu.memory_space<hbm>>
      tpu.wait_dma2 semaphore(%run_scoped3A : memref<!tpu.dma_semaphore, #tpu.memory_space<semaphore_mem>>) src(%arg8 : memref<64x256xf32, #tpu.memory_space<vmem>>) dst(%dma_wait3A_20 : memref<64x256xf32, #tpu.memory_space<hbm>>)
      tpu.yield
    }) : () -> ()
    return
  }
}

module attributes {stable_mosaic.version = 14 : i64} {
  func.func @_adj_body(%arg0: i32, %arg1: memref<400x2000xf32, #tpu.memory_space<vmem>>, %arg2: memref<400x2000xf32, #tpu.memory_space<vmem>>, %arg3: memref<400x2000xf32, #tpu.memory_space<vmem>>, %arg4: memref<400x1xf32, #tpu.memory_space<vmem>>) attributes {dimension_semantics = [#tpu.dimension_semantics<arbitrary>], iteration_bounds = array<i64: 5>, scalar_prefetch = 0 : i64, scratch_operands = 0 : i64, tpu.core_type = #tpu.core_type<tc>, window_params = [{transform_indices = @transform_0, window_bounds = array<i64: 400, 2000>}, {transform_indices = @transform_1, window_bounds = array<i64: 400, 2000>}, {transform_indices = @transform_2, window_bounds = array<i64: 400, 2000>}, {transform_indices = @transform_3, window_bounds = array<i64: 400, 1>}]} {
    %get3A = arith.constant 0 : index
    %get3A_0 = arith.constant 0 : index
    %get3A_1 = vector.load %arg1[%get3A, %get3A_0] : memref<400x2000xf32, #tpu.memory_space<vmem>>, vector<400x2000xf32>
    %get3A_2 = arith.constant 0 : index
    %get3A_3 = arith.constant 0 : index
    %get3A_4 = vector.load %arg2[%get3A_2, %get3A_3] : memref<400x2000xf32, #tpu.memory_space<vmem>>, vector<400x2000xf32>
    %broadcast_in_dim3A = arith.constant 0.000000e+00 : f32
    %broadcast_in_dim3A_5 = vector.broadcast %broadcast_in_dim3A : f32 to vector<400x1xf32>
    %broadcast_in_dim3A_6 = arith.constant 1.020000e+00 : f32
    %broadcast_in_dim3A_7 = vector.broadcast %broadcast_in_dim3A_6 : f32 to vector<400x1xf32>
    %add3A = arith.addf %broadcast_in_dim3A_5, %broadcast_in_dim3A_7 : vector<400x1xf32>
    %mul3A = arith.constant 5.000000e-01 : f32
    %mul3A_8 = vector.broadcast %mul3A : f32 to vector<400x1xf32>
    %mul3A_9 = arith.mulf %mul3A_8, %add3A : vector<400x1xf32>
    %gt3A = vector.broadcast %mul3A_9 : vector<400x1xf32> to vector<400x2000xf32>
    %gt3A_10 = arith.cmpf ogt, %get3A_4, %gt3A : vector<400x2000xf32>
    %jit3A = arith.constant 1.000000e+00 : f32
    %jit3A_11 = arith.constant 0.000000e+00 : f32
    %broadcast_in_dim3A_12 = vector.broadcast %jit3A : f32 to vector<400x2000xf32>
    %broadcast_in_dim3A_13 = vector.broadcast %jit3A_11 : f32 to vector<400x2000xf32>
    %select_n3A = arith.select %gt3A_10, %broadcast_in_dim3A_12, %broadcast_in_dim3A_13 : vector<400x2000xi1>, vector<400x2000xf32>
    %reduce_sum3A = arith.constant dense<0.000000e+00> : vector<400xf32>
    %reduce_sum3A_14 = vector.multi_reduction <add>, %select_n3A, %reduce_sum3A [1] : vector<400x2000xf32> to vector<400xf32>
    %broadcast_in_dim3A_15 = vector.shape_cast %reduce_sum3A_14 : vector<400xf32> to vector<400x1xf32>
    %ge3A = arith.constant 3.000000e+01 : f32
    %ge3A_16 = vector.broadcast %ge3A : f32 to vector<400x1xf32>
    %ge3A_17 = arith.cmpf oge, %broadcast_in_dim3A_15, %ge3A_16 : vector<400x1xf32>
    %select_n3A_18 = arith.select %ge3A_17, %mul3A_9, %broadcast_in_dim3A_5 : vector<400x1xi1>, vector<400x1xf32>
    %select_n3A_19 = arith.select %ge3A_17, %broadcast_in_dim3A_7, %mul3A_9 : vector<400x1xi1>, vector<400x1xf32>
    %add3A_20 = arith.addf %select_n3A_18, %select_n3A_19 : vector<400x1xf32>
    %mul3A_21 = arith.constant 5.000000e-01 : f32
    %mul3A_22 = vector.broadcast %mul3A_21 : f32 to vector<400x1xf32>
    %mul3A_23 = arith.mulf %mul3A_22, %add3A_20 : vector<400x1xf32>
    %gt3A_24 = vector.broadcast %mul3A_23 : vector<400x1xf32> to vector<400x2000xf32>
    %gt3A_25 = arith.cmpf ogt, %get3A_4, %gt3A_24 : vector<400x2000xf32>
    %jit3A_26 = arith.constant 1.000000e+00 : f32
    %jit3A_27 = arith.constant 0.000000e+00 : f32
    %broadcast_in_dim3A_28 = vector.broadcast %jit3A_26 : f32 to vector<400x2000xf32>
    %broadcast_in_dim3A_29 = vector.broadcast %jit3A_27 : f32 to vector<400x2000xf32>
    %select_n3A_30 = arith.select %gt3A_25, %broadcast_in_dim3A_28, %broadcast_in_dim3A_29 : vector<400x2000xi1>, vector<400x2000xf32>
    %reduce_sum3A_31 = arith.constant dense<0.000000e+00> : vector<400xf32>
    %reduce_sum3A_32 = vector.multi_reduction <add>, %select_n3A_30, %reduce_sum3A_31 [1] : vector<400x2000xf32> to vector<400xf32>
    %broadcast_in_dim3A_33 = vector.shape_cast %reduce_sum3A_32 : vector<400xf32> to vector<400x1xf32>
    %ge3A_34 = arith.constant 3.000000e+01 : f32
    %ge3A_35 = vector.broadcast %ge3A_34 : f32 to vector<400x1xf32>
    %ge3A_36 = arith.cmpf oge, %broadcast_in_dim3A_33, %ge3A_35 : vector<400x1xf32>
    %select_n3A_37 = arith.select %ge3A_36, %mul3A_23, %select_n3A_18 : vector<400x1xi1>, vector<400x1xf32>
    %select_n3A_38 = arith.select %ge3A_36, %select_n3A_19, %mul3A_23 : vector<400x1xi1>, vector<400x1xf32>
    %add3A_39 = arith.addf %select_n3A_37, %select_n3A_38 : vector<400x1xf32>
    %mul3A_40 = arith.constant 5.000000e-01 : f32
    %mul3A_41 = vector.broadcast %mul3A_40 : f32 to vector<400x1xf32>
    %mul3A_42 = arith.mulf %mul3A_41, %add3A_39 : vector<400x1xf32>
    %gt3A_43 = vector.broadcast %mul3A_42 : vector<400x1xf32> to vector<400x2000xf32>
    %gt3A_44 = arith.cmpf ogt, %get3A_4, %gt3A_43 : vector<400x2000xf32>
    %jit3A_45 = arith.constant 1.000000e+00 : f32
    %jit3A_46 = arith.constant 0.000000e+00 : f32
    %broadcast_in_dim3A_47 = vector.broadcast %jit3A_45 : f32 to vector<400x2000xf32>
    %broadcast_in_dim3A_48 = vector.broadcast %jit3A_46 : f32 to vector<400x2000xf32>
    %select_n3A_49 = arith.select %gt3A_44, %broadcast_in_dim3A_47, %broadcast_in_dim3A_48 : vector<400x2000xi1>, vector<400x2000xf32>
    %reduce_sum3A_50 = arith.constant dense<0.000000e+00> : vector<400xf32>
    %reduce_sum3A_51 = vector.multi_reduction <add>, %select_n3A_49, %reduce_sum3A_50 [1] : vector<400x2000xf32> to vector<400xf32>
    %broadcast_in_dim3A_52 = vector.shape_cast %reduce_sum3A_51 : vector<400xf32> to vector<400x1xf32>
    %ge3A_53 = arith.constant 3.000000e+01 : f32
    %ge3A_54 = vector.broadcast %ge3A_53 : f32 to vector<400x1xf32>
    %ge3A_55 = arith.cmpf oge, %broadcast_in_dim3A_52, %ge3A_54 : vector<400x1xf32>
    %select_n3A_56 = arith.select %ge3A_55, %mul3A_42, %select_n3A_37 : vector<400x1xi1>, vector<400x1xf32>
    %select_n3A_57 = arith.select %ge3A_55, %select_n3A_38, %mul3A_42 : vector<400x1xi1>, vector<400x1xf32>
    %add3A_58 = arith.addf %select_n3A_56, %select_n3A_57 : vector<400x1xf32>
    %mul3A_59 = arith.constant 5.000000e-01 : f32
    %mul3A_60 = vector.broadcast %mul3A_59 : f32 to vector<400x1xf32>
    %mul3A_61 = arith.mulf %mul3A_60, %add3A_58 : vector<400x1xf32>
    %gt3A_62 = vector.broadcast %mul3A_61 : vector<400x1xf32> to vector<400x2000xf32>
    %gt3A_63 = arith.cmpf ogt, %get3A_4, %gt3A_62 : vector<400x2000xf32>
    %jit3A_64 = arith.constant 1.000000e+00 : f32
    %jit3A_65 = arith.constant 0.000000e+00 : f32
    %broadcast_in_dim3A_66 = vector.broadcast %jit3A_64 : f32 to vector<400x2000xf32>
    %broadcast_in_dim3A_67 = vector.broadcast %jit3A_65 : f32 to vector<400x2000xf32>
    %select_n3A_68 = arith.select %gt3A_63, %broadcast_in_dim3A_66, %broadcast_in_dim3A_67 : vector<400x2000xi1>, vector<400x2000xf32>
    %reduce_sum3A_69 = arith.constant dense<0.000000e+00> : vector<400xf32>
    %reduce_sum3A_70 = vector.multi_reduction <add>, %select_n3A_68, %reduce_sum3A_69 [1] : vector<400x2000xf32> to vector<400xf32>
    %broadcast_in_dim3A_71 = vector.shape_cast %reduce_sum3A_70 : vector<400xf32> to vector<400x1xf32>
    %ge3A_72 = arith.constant 3.000000e+01 : f32
    %ge3A_73 = vector.broadcast %ge3A_72 : f32 to vector<400x1xf32>
    %ge3A_74 = arith.cmpf oge, %broadcast_in_dim3A_71, %ge3A_73 : vector<400x1xf32>
    %select_n3A_75 = arith.select %ge3A_74, %mul3A_61, %select_n3A_56 : vector<400x1xi1>, vector<400x1xf32>
    %select_n3A_76 = arith.select %ge3A_74, %select_n3A_57, %mul3A_61 : vector<400x1xi1>, vector<400x1xf32>
    %add3A_77 = arith.addf %select_n3A_75, %select_n3A_76 : vector<400x1xf32>
    %mul3A_78 = arith.constant 5.000000e-01 : f32
    %mul3A_79 = vector.broadcast %mul3A_78 : f32 to vector<400x1xf32>
    %mul3A_80 = arith.mulf %mul3A_79, %add3A_77 : vector<400x1xf32>
    %gt3A_81 = vector.broadcast %mul3A_80 : vector<400x1xf32> to vector<400x2000xf32>
    %gt3A_82 = arith.cmpf ogt, %get3A_4, %gt3A_81 : vector<400x2000xf32>
    %jit3A_83 = arith.constant 1.000000e+00 : f32
    %jit3A_84 = arith.constant 0.000000e+00 : f32
    %broadcast_in_dim3A_85 = vector.broadcast %jit3A_83 : f32 to vector<400x2000xf32>
    %broadcast_in_dim3A_86 = vector.broadcast %jit3A_84 : f32 to vector<400x2000xf32>
    %select_n3A_87 = arith.select %gt3A_82, %broadcast_in_dim3A_85, %broadcast_in_dim3A_86 : vector<400x2000xi1>, vector<400x2000xf32>
    %reduce_sum3A_88 = arith.constant dense<0.000000e+00> : vector<400xf32>
    %reduce_sum3A_89 = vector.multi_reduction <add>, %select_n3A_87, %reduce_sum3A_88 [1] : vector<400x2000xf32> to vector<400xf32>
    %broadcast_in_dim3A_90 = vector.shape_cast %reduce_sum3A_89 : vector<400xf32> to vector<400x1xf32>
    %ge3A_91 = arith.constant 3.000000e+01 : f32
    %ge3A_92 = vector.broadcast %ge3A_91 : f32 to vector<400x1xf32>
    %ge3A_93 = arith.cmpf oge, %broadcast_in_dim3A_90, %ge3A_92 : vector<400x1xf32>
    %select_n3A_94 = arith.select %ge3A_93, %mul3A_80, %select_n3A_75 : vector<400x1xi1>, vector<400x1xf32>
    %select_n3A_95 = arith.select %ge3A_93, %select_n3A_76, %mul3A_80 : vector<400x1xi1>, vector<400x1xf32>
    %add3A_96 = arith.addf %select_n3A_94, %select_n3A_95 : vector<400x1xf32>
    %mul3A_97 = arith.constant 5.000000e-01 : f32
    %mul3A_98 = vector.broadcast %mul3A_97 : f32 to vector<400x1xf32>
    %mul3A_99 = arith.mulf %mul3A_98, %add3A_96 : vector<400x1xf32>
    %gt3A_100 = vector.broadcast %mul3A_99 : vector<400x1xf32> to vector<400x2000xf32>
    %gt3A_101 = arith.cmpf ogt, %get3A_4, %gt3A_100 : vector<400x2000xf32>
    %jit3A_102 = arith.constant 1.000000e+00 : f32
    %jit3A_103 = arith.constant 0.000000e+00 : f32
    %broadcast_in_dim3A_104 = vector.broadcast %jit3A_102 : f32 to vector<400x2000xf32>
    %broadcast_in_dim3A_105 = vector.broadcast %jit3A_103 : f32 to vector<400x2000xf32>
    %select_n3A_106 = arith.select %gt3A_101, %broadcast_in_dim3A_104, %broadcast_in_dim3A_105 : vector<400x2000xi1>, vector<400x2000xf32>
    %reduce_sum3A_107 = arith.constant dense<0.000000e+00> : vector<400xf32>
    %reduce_sum3A_108 = vector.multi_reduction <add>, %select_n3A_106, %reduce_sum3A_107 [1] : vector<400x2000xf32> to vector<400xf32>
    %broadcast_in_dim3A_109 = vector.shape_cast %reduce_sum3A_108 : vector<400xf32> to vector<400x1xf32>
    %ge3A_110 = arith.constant 3.000000e+01 : f32
    %ge3A_111 = vector.broadcast %ge3A_110 : f32 to vector<400x1xf32>
    %ge3A_112 = arith.cmpf oge, %broadcast_in_dim3A_109, %ge3A_111 : vector<400x1xf32>
    %select_n3A_113 = arith.select %ge3A_112, %mul3A_99, %select_n3A_94 : vector<400x1xi1>, vector<400x1xf32>
    %select_n3A_114 = arith.select %ge3A_112, %select_n3A_95, %mul3A_99 : vector<400x1xi1>, vector<400x1xf32>
    %add3A_115 = arith.addf %select_n3A_113, %select_n3A_114 : vector<400x1xf32>
    %mul3A_116 = arith.constant 5.000000e-01 : f32
    %mul3A_117 = vector.broadcast %mul3A_116 : f32 to vector<400x1xf32>
    %mul3A_118 = arith.mulf %mul3A_117, %add3A_115 : vector<400x1xf32>
    %gt3A_119 = vector.broadcast %mul3A_118 : vector<400x1xf32> to vector<400x2000xf32>
    %gt3A_120 = arith.cmpf ogt, %get3A_4, %gt3A_119 : vector<400x2000xf32>
    %jit3A_121 = arith.constant 1.000000e+00 : f32
    %jit3A_122 = arith.constant 0.000000e+00 : f32
    %broadcast_in_dim3A_123 = vector.broadcast %jit3A_121 : f32 to vector<400x2000xf32>
    %broadcast_in_dim3A_124 = vector.broadcast %jit3A_122 : f32 to vector<400x2000xf32>
    %select_n3A_125 = arith.select %gt3A_120, %broadcast_in_dim3A_123, %broadcast_in_dim3A_124 : vector<400x2000xi1>, vector<400x2000xf32>
    %reduce_sum3A_126 = arith.constant dense<0.000000e+00> : vector<400xf32>
    %reduce_sum3A_127 = vector.multi_reduction <add>, %select_n3A_125, %reduce_sum3A_126 [1] : vector<400x2000xf32> to vector<400xf32>
    %broadcast_in_dim3A_128 = vector.shape_cast %reduce_sum3A_127 : vector<400xf32> to vector<400x1xf32>
    %ge3A_129 = arith.constant 3.000000e+01 : f32
    %ge3A_130 = vector.broadcast %ge3A_129 : f32 to vector<400x1xf32>
    %ge3A_131 = arith.cmpf oge, %broadcast_in_dim3A_128, %ge3A_130 : vector<400x1xf32>
    %select_n3A_132 = arith.select %ge3A_131, %mul3A_118, %select_n3A_113 : vector<400x1xi1>, vector<400x1xf32>
    %select_n3A_133 = arith.select %ge3A_131, %select_n3A_114, %mul3A_118 : vector<400x1xi1>, vector<400x1xf32>
    %add3A_134 = arith.addf %select_n3A_132, %select_n3A_133 : vector<400x1xf32>
    %mul3A_135 = arith.constant 5.000000e-01 : f32
    %mul3A_136 = vector.broadcast %mul3A_135 : f32 to vector<400x1xf32>
    %mul3A_137 = arith.mulf %mul3A_136, %add3A_134 : vector<400x1xf32>
    %gt3A_138 = vector.broadcast %mul3A_137 : vector<400x1xf32> to vector<400x2000xf32>
    %gt3A_139 = arith.cmpf ogt, %get3A_4, %gt3A_138 : vector<400x2000xf32>
    %jit3A_140 = arith.constant 1.000000e+00 : f32
    %jit3A_141 = arith.constant 0.000000e+00 : f32
    %broadcast_in_dim3A_142 = vector.broadcast %jit3A_140 : f32 to vector<400x2000xf32>
    %broadcast_in_dim3A_143 = vector.broadcast %jit3A_141 : f32 to vector<400x2000xf32>
    %select_n3A_144 = arith.select %gt3A_139, %broadcast_in_dim3A_142, %broadcast_in_dim3A_143 : vector<400x2000xi1>, vector<400x2000xf32>
    %reduce_sum3A_145 = arith.constant dense<0.000000e+00> : vector<400xf32>
    %reduce_sum3A_146 = vector.multi_reduction <add>, %select_n3A_144, %reduce_sum3A_145 [1] : vector<400x2000xf32> to vector<400xf32>
    %broadcast_in_dim3A_147 = vector.shape_cast %reduce_sum3A_146 : vector<400xf32> to vector<400x1xf32>
    %ge3A_148 = arith.constant 3.000000e+01 : f32
    %ge3A_149 = vector.broadcast %ge3A_148 : f32 to vector<400x1xf32>
    %ge3A_150 = arith.cmpf oge, %broadcast_in_dim3A_147, %ge3A_149 : vector<400x1xf32>
    %select_n3A_151 = arith.select %ge3A_150, %mul3A_137, %select_n3A_132 : vector<400x1xi1>, vector<400x1xf32>
    %select_n3A_152 = arith.select %ge3A_150, %select_n3A_133, %mul3A_137 : vector<400x1xi1>, vector<400x1xf32>
    %add3A_153 = arith.addf %select_n3A_151, %select_n3A_152 : vector<400x1xf32>
    %mul3A_154 = arith.constant 5.000000e-01 : f32
    %mul3A_155 = vector.broadcast %mul3A_154 : f32 to vector<400x1xf32>
    %mul3A_156 = arith.mulf %mul3A_155, %add3A_153 : vector<400x1xf32>
    %gt3A_157 = vector.broadcast %mul3A_156 : vector<400x1xf32> to vector<400x2000xf32>
    %gt3A_158 = arith.cmpf ogt, %get3A_4, %gt3A_157 : vector<400x2000xf32>
    %jit3A_159 = arith.constant 1.000000e+00 : f32
    %jit3A_160 = arith.constant 0.000000e+00 : f32
    %broadcast_in_dim3A_161 = vector.broadcast %jit3A_159 : f32 to vector<400x2000xf32>
    %broadcast_in_dim3A_162 = vector.broadcast %jit3A_160 : f32 to vector<400x2000xf32>
    %select_n3A_163 = arith.select %gt3A_158, %broadcast_in_dim3A_161, %broadcast_in_dim3A_162 : vector<400x2000xi1>, vector<400x2000xf32>
    %reduce_sum3A_164 = arith.constant dense<0.000000e+00> : vector<400xf32>
    %reduce_sum3A_165 = vector.multi_reduction <add>, %select_n3A_163, %reduce_sum3A_164 [1] : vector<400x2000xf32> to vector<400xf32>
    %broadcast_in_dim3A_166 = vector.shape_cast %reduce_sum3A_165 : vector<400xf32> to vector<400x1xf32>
    %ge3A_167 = arith.constant 3.000000e+01 : f32
    %ge3A_168 = vector.broadcast %ge3A_167 : f32 to vector<400x1xf32>
    %ge3A_169 = arith.cmpf oge, %broadcast_in_dim3A_166, %ge3A_168 : vector<400x1xf32>
    %select_n3A_170 = arith.select %ge3A_169, %mul3A_156, %select_n3A_151 : vector<400x1xi1>, vector<400x1xf32>
    %select_n3A_171 = arith.select %ge3A_169, %select_n3A_152, %mul3A_156 : vector<400x1xi1>, vector<400x1xf32>
    %add3A_172 = arith.addf %select_n3A_170, %select_n3A_171 : vector<400x1xf32>
    %mul3A_173 = arith.constant 5.000000e-01 : f32
    %mul3A_174 = vector.broadcast %mul3A_173 : f32 to vector<400x1xf32>
    %mul3A_175 = arith.mulf %mul3A_174, %add3A_172 : vector<400x1xf32>
    %gt3A_176 = vector.broadcast %mul3A_175 : vector<400x1xf32> to vector<400x2000xf32>
    %gt3A_177 = arith.cmpf ogt, %get3A_4, %gt3A_176 : vector<400x2000xf32>
    %jit3A_178 = arith.constant 1.000000e+00 : f32
    %jit3A_179 = arith.constant 0.000000e+00 : f32
    %broadcast_in_dim3A_180 = vector.broadcast %jit3A_178 : f32 to vector<400x2000xf32>
    %broadcast_in_dim3A_181 = vector.broadcast %jit3A_179 : f32 to vector<400x2000xf32>
    %select_n3A_182 = arith.select %gt3A_177, %broadcast_in_dim3A_180, %broadcast_in_dim3A_181 : vector<400x2000xi1>, vector<400x2000xf32>
    %reduce_sum3A_183 = arith.constant dense<0.000000e+00> : vector<400xf32>
    %reduce_sum3A_184 = vector.multi_reduction <add>, %select_n3A_182, %reduce_sum3A_183 [1] : vector<400x2000xf32> to vector<400xf32>
    %broadcast_in_dim3A_185 = vector.shape_cast %reduce_sum3A_184 : vector<400xf32> to vector<400x1xf32>
    %ge3A_186 = arith.constant 3.000000e+01 : f32
    %ge3A_187 = vector.broadcast %ge3A_186 : f32 to vector<400x1xf32>
    %ge3A_188 = arith.cmpf oge, %broadcast_in_dim3A_185, %ge3A_187 : vector<400x1xf32>
    %select_n3A_189 = arith.select %ge3A_188, %mul3A_175, %select_n3A_170 : vector<400x1xi1>, vector<400x1xf32>
    %select_n3A_190 = arith.select %ge3A_188, %select_n3A_171, %mul3A_175 : vector<400x1xi1>, vector<400x1xf32>
    %add3A_191 = arith.addf %select_n3A_189, %select_n3A_190 : vector<400x1xf32>
    %mul3A_192 = arith.constant 5.000000e-01 : f32
    %mul3A_193 = vector.broadcast %mul3A_192 : f32 to vector<400x1xf32>
    %mul3A_194 = arith.mulf %mul3A_193, %add3A_191 : vector<400x1xf32>
    %gt3A_195 = vector.broadcast %mul3A_194 : vector<400x1xf32> to vector<400x2000xf32>
    %gt3A_196 = arith.cmpf ogt, %get3A_4, %gt3A_195 : vector<400x2000xf32>
    %jit3A_197 = arith.constant 1.000000e+00 : f32
    %jit3A_198 = arith.constant 0.000000e+00 : f32
    %broadcast_in_dim3A_199 = vector.broadcast %jit3A_197 : f32 to vector<400x2000xf32>
    %broadcast_in_dim3A_200 = vector.broadcast %jit3A_198 : f32 to vector<400x2000xf32>
    %select_n3A_201 = arith.select %gt3A_196, %broadcast_in_dim3A_199, %broadcast_in_dim3A_200 : vector<400x2000xi1>, vector<400x2000xf32>
    %reduce_sum3A_202 = arith.constant dense<0.000000e+00> : vector<400xf32>
    %reduce_sum3A_203 = vector.multi_reduction <add>, %select_n3A_201, %reduce_sum3A_202 [1] : vector<400x2000xf32> to vector<400xf32>
    %broadcast_in_dim3A_204 = vector.shape_cast %reduce_sum3A_203 : vector<400xf32> to vector<400x1xf32>
    %ge3A_205 = arith.constant 3.000000e+01 : f32
    %ge3A_206 = vector.broadcast %ge3A_205 : f32 to vector<400x1xf32>
    %ge3A_207 = arith.cmpf oge, %broadcast_in_dim3A_204, %ge3A_206 : vector<400x1xf32>
    %select_n3A_208 = arith.select %ge3A_207, %mul3A_194, %select_n3A_189 : vector<400x1xi1>, vector<400x1xf32>
    %select_n3A_209 = arith.select %ge3A_207, %select_n3A_190, %mul3A_194 : vector<400x1xi1>, vector<400x1xf32>
    %add3A_210 = arith.addf %select_n3A_208, %select_n3A_209 : vector<400x1xf32>
    %mul3A_211 = arith.constant 5.000000e-01 : f32
    %mul3A_212 = vector.broadcast %mul3A_211 : f32 to vector<400x1xf32>
    %mul3A_213 = arith.mulf %mul3A_212, %add3A_210 : vector<400x1xf32>
    %gt3A_214 = vector.broadcast %mul3A_213 : vector<400x1xf32> to vector<400x2000xf32>
    %gt3A_215 = arith.cmpf ogt, %get3A_4, %gt3A_214 : vector<400x2000xf32>
    %jit3A_216 = arith.constant 1.000000e+00 : f32
    %jit3A_217 = arith.constant 0.000000e+00 : f32
    %broadcast_in_dim3A_218 = vector.broadcast %jit3A_216 : f32 to vector<400x2000xf32>
    %broadcast_in_dim3A_219 = vector.broadcast %jit3A_217 : f32 to vector<400x2000xf32>
    %select_n3A_220 = arith.select %gt3A_215, %broadcast_in_dim3A_218, %broadcast_in_dim3A_219 : vector<400x2000xi1>, vector<400x2000xf32>
    %reduce_sum3A_221 = arith.constant dense<0.000000e+00> : vector<400xf32>
    %reduce_sum3A_222 = vector.multi_reduction <add>, %select_n3A_220, %reduce_sum3A_221 [1] : vector<400x2000xf32> to vector<400xf32>
    %broadcast_in_dim3A_223 = vector.shape_cast %reduce_sum3A_222 : vector<400xf32> to vector<400x1xf32>
    %ge3A_224 = arith.constant 3.000000e+01 : f32
    %ge3A_225 = vector.broadcast %ge3A_224 : f32 to vector<400x1xf32>
    %ge3A_226 = arith.cmpf oge, %broadcast_in_dim3A_223, %ge3A_225 : vector<400x1xf32>
    %select_n3A_227 = arith.select %ge3A_226, %mul3A_213, %select_n3A_208 : vector<400x1xi1>, vector<400x1xf32>
    %select_n3A_228 = arith.select %ge3A_226, %select_n3A_209, %mul3A_213 : vector<400x1xi1>, vector<400x1xf32>
    %add3A_229 = arith.addf %select_n3A_227, %select_n3A_228 : vector<400x1xf32>
    %mul3A_230 = arith.constant 5.000000e-01 : f32
    %mul3A_231 = vector.broadcast %mul3A_230 : f32 to vector<400x1xf32>
    %mul3A_232 = arith.mulf %mul3A_231, %add3A_229 : vector<400x1xf32>
    %gt3A_233 = vector.broadcast %mul3A_232 : vector<400x1xf32> to vector<400x2000xf32>
    %gt3A_234 = arith.cmpf ogt, %get3A_4, %gt3A_233 : vector<400x2000xf32>
    %jit3A_235 = arith.constant 1.000000e+00 : f32
    %jit3A_236 = arith.constant 0.000000e+00 : f32
    %broadcast_in_dim3A_237 = vector.broadcast %jit3A_235 : f32 to vector<400x2000xf32>
    %broadcast_in_dim3A_238 = vector.broadcast %jit3A_236 : f32 to vector<400x2000xf32>
    %select_n3A_239 = arith.select %gt3A_234, %broadcast_in_dim3A_237, %broadcast_in_dim3A_238 : vector<400x2000xi1>, vector<400x2000xf32>
    %reduce_sum3A_240 = arith.constant dense<0.000000e+00> : vector<400xf32>
    %reduce_sum3A_241 = vector.multi_reduction <add>, %select_n3A_239, %reduce_sum3A_240 [1] : vector<400x2000xf32> to vector<400xf32>
    %broadcast_in_dim3A_242 = vector.shape_cast %reduce_sum3A_241 : vector<400xf32> to vector<400x1xf32>
    %ge3A_243 = arith.constant 3.000000e+01 : f32
    %ge3A_244 = vector.broadcast %ge3A_243 : f32 to vector<400x1xf32>
    %ge3A_245 = arith.cmpf oge, %broadcast_in_dim3A_242, %ge3A_244 : vector<400x1xf32>
    %select_n3A_246 = arith.select %ge3A_245, %mul3A_232, %select_n3A_227 : vector<400x1xi1>, vector<400x1xf32>
    %select_n3A_247 = arith.select %ge3A_245, %select_n3A_228, %mul3A_232 : vector<400x1xi1>, vector<400x1xf32>
    %add3A_248 = arith.addf %select_n3A_246, %select_n3A_247 : vector<400x1xf32>
    %mul3A_249 = arith.constant 5.000000e-01 : f32
    %mul3A_250 = vector.broadcast %mul3A_249 : f32 to vector<400x1xf32>
    %mul3A_251 = arith.mulf %mul3A_250, %add3A_248 : vector<400x1xf32>
    %gt3A_252 = vector.broadcast %mul3A_251 : vector<400x1xf32> to vector<400x2000xf32>
    %gt3A_253 = arith.cmpf ogt, %get3A_4, %gt3A_252 : vector<400x2000xf32>
    %jit3A_254 = arith.constant 1.000000e+00 : f32
    %jit3A_255 = arith.constant 0.000000e+00 : f32
    %broadcast_in_dim3A_256 = vector.broadcast %jit3A_254 : f32 to vector<400x2000xf32>
    %broadcast_in_dim3A_257 = vector.broadcast %jit3A_255 : f32 to vector<400x2000xf32>
    %select_n3A_258 = arith.select %gt3A_253, %broadcast_in_dim3A_256, %broadcast_in_dim3A_257 : vector<400x2000xi1>, vector<400x2000xf32>
    %reduce_sum3A_259 = arith.constant dense<0.000000e+00> : vector<400xf32>
    %reduce_sum3A_260 = vector.multi_reduction <add>, %select_n3A_258, %reduce_sum3A_259 [1] : vector<400x2000xf32> to vector<400xf32>
    %broadcast_in_dim3A_261 = vector.shape_cast %reduce_sum3A_260 : vector<400xf32> to vector<400x1xf32>
    %ge3A_262 = arith.constant 3.000000e+01 : f32
    %ge3A_263 = vector.broadcast %ge3A_262 : f32 to vector<400x1xf32>
    %ge3A_264 = arith.cmpf oge, %broadcast_in_dim3A_261, %ge3A_263 : vector<400x1xf32>
    %select_n3A_265 = arith.select %ge3A_264, %mul3A_251, %select_n3A_246 : vector<400x1xi1>, vector<400x1xf32>
    %select_n3A_266 = arith.select %ge3A_264, %select_n3A_247, %mul3A_251 : vector<400x1xi1>, vector<400x1xf32>
    %add3A_267 = arith.addf %select_n3A_265, %select_n3A_266 : vector<400x1xf32>
    %mul3A_268 = arith.constant 5.000000e-01 : f32
    %mul3A_269 = vector.broadcast %mul3A_268 : f32 to vector<400x1xf32>
    %mul3A_270 = arith.mulf %mul3A_269, %add3A_267 : vector<400x1xf32>
    %gt3A_271 = vector.broadcast %mul3A_270 : vector<400x1xf32> to vector<400x2000xf32>
    %gt3A_272 = arith.cmpf ogt, %get3A_4, %gt3A_271 : vector<400x2000xf32>
    %jit3A_273 = arith.constant 1.000000e+00 : f32
    %jit3A_274 = arith.constant 0.000000e+00 : f32
    %broadcast_in_dim3A_275 = vector.broadcast %jit3A_273 : f32 to vector<400x2000xf32>
    %broadcast_in_dim3A_276 = vector.broadcast %jit3A_274 : f32 to vector<400x2000xf32>
    %select_n3A_277 = arith.select %gt3A_272, %broadcast_in_dim3A_275, %broadcast_in_dim3A_276 : vector<400x2000xi1>, vector<400x2000xf32>
    %reduce_sum3A_278 = arith.constant dense<0.000000e+00> : vector<400xf32>
    %reduce_sum3A_279 = vector.multi_reduction <add>, %select_n3A_277, %reduce_sum3A_278 [1] : vector<400x2000xf32> to vector<400xf32>
    %broadcast_in_dim3A_280 = vector.shape_cast %reduce_sum3A_279 : vector<400xf32> to vector<400x1xf32>
    %ge3A_281 = arith.constant 3.000000e+01 : f32
    %ge3A_282 = vector.broadcast %ge3A_281 : f32 to vector<400x1xf32>
    %ge3A_283 = arith.cmpf oge, %broadcast_in_dim3A_280, %ge3A_282 : vector<400x1xf32>
    %select_n3A_284 = arith.select %ge3A_283, %mul3A_270, %select_n3A_265 : vector<400x1xi1>, vector<400x1xf32>
    %select_n3A_285 = arith.select %ge3A_283, %select_n3A_266, %mul3A_270 : vector<400x1xi1>, vector<400x1xf32>
    %add3A_286 = arith.addf %select_n3A_284, %select_n3A_285 : vector<400x1xf32>
    %mul3A_287 = arith.constant 5.000000e-01 : f32
    %mul3A_288 = vector.broadcast %mul3A_287 : f32 to vector<400x1xf32>
    %mul3A_289 = arith.mulf %mul3A_288, %add3A_286 : vector<400x1xf32>
    %gt3A_290 = vector.broadcast %mul3A_289 : vector<400x1xf32> to vector<400x2000xf32>
    %gt3A_291 = arith.cmpf ogt, %get3A_4, %gt3A_290 : vector<400x2000xf32>
    %jit3A_292 = arith.constant 1.000000e+00 : f32
    %jit3A_293 = arith.constant 0.000000e+00 : f32
    %broadcast_in_dim3A_294 = vector.broadcast %jit3A_292 : f32 to vector<400x2000xf32>
    %broadcast_in_dim3A_295 = vector.broadcast %jit3A_293 : f32 to vector<400x2000xf32>
    %select_n3A_296 = arith.select %gt3A_291, %broadcast_in_dim3A_294, %broadcast_in_dim3A_295 : vector<400x2000xi1>, vector<400x2000xf32>
    %reduce_sum3A_297 = arith.constant dense<0.000000e+00> : vector<400xf32>
    %reduce_sum3A_298 = vector.multi_reduction <add>, %select_n3A_296, %reduce_sum3A_297 [1] : vector<400x2000xf32> to vector<400xf32>
    %broadcast_in_dim3A_299 = vector.shape_cast %reduce_sum3A_298 : vector<400xf32> to vector<400x1xf32>
    %ge3A_300 = arith.constant 3.000000e+01 : f32
    %ge3A_301 = vector.broadcast %ge3A_300 : f32 to vector<400x1xf32>
    %ge3A_302 = arith.cmpf oge, %broadcast_in_dim3A_299, %ge3A_301 : vector<400x1xf32>
    %select_n3A_303 = arith.select %ge3A_302, %mul3A_289, %select_n3A_284 : vector<400x1xi1>, vector<400x1xf32>
    %select_n3A_304 = arith.select %ge3A_302, %select_n3A_285, %mul3A_289 : vector<400x1xi1>, vector<400x1xf32>
    %add3A_305 = arith.addf %select_n3A_303, %select_n3A_304 : vector<400x1xf32>
    %mul3A_306 = arith.constant 5.000000e-01 : f32
    %mul3A_307 = vector.broadcast %mul3A_306 : f32 to vector<400x1xf32>
    %mul3A_308 = arith.mulf %mul3A_307, %add3A_305 : vector<400x1xf32>
    %gt3A_309 = vector.broadcast %mul3A_308 : vector<400x1xf32> to vector<400x2000xf32>
    %gt3A_310 = arith.cmpf ogt, %get3A_4, %gt3A_309 : vector<400x2000xf32>
    %jit3A_311 = arith.constant 1.000000e+00 : f32
    %jit3A_312 = arith.constant 0.000000e+00 : f32
    %broadcast_in_dim3A_313 = vector.broadcast %jit3A_311 : f32 to vector<400x2000xf32>
    %broadcast_in_dim3A_314 = vector.broadcast %jit3A_312 : f32 to vector<400x2000xf32>
    %select_n3A_315 = arith.select %gt3A_310, %broadcast_in_dim3A_313, %broadcast_in_dim3A_314 : vector<400x2000xi1>, vector<400x2000xf32>
    %reduce_sum3A_316 = arith.constant dense<0.000000e+00> : vector<400xf32>
    %reduce_sum3A_317 = vector.multi_reduction <add>, %select_n3A_315, %reduce_sum3A_316 [1] : vector<400x2000xf32> to vector<400xf32>
    %broadcast_in_dim3A_318 = vector.shape_cast %reduce_sum3A_317 : vector<400xf32> to vector<400x1xf32>
    %ge3A_319 = arith.constant 3.000000e+01 : f32
    %ge3A_320 = vector.broadcast %ge3A_319 : f32 to vector<400x1xf32>
    %ge3A_321 = arith.cmpf oge, %broadcast_in_dim3A_318, %ge3A_320 : vector<400x1xf32>
    %select_n3A_322 = arith.select %ge3A_321, %mul3A_308, %select_n3A_303 : vector<400x1xi1>, vector<400x1xf32>
    %select_n3A_323 = arith.select %ge3A_321, %select_n3A_304, %mul3A_308 : vector<400x1xi1>, vector<400x1xf32>
    %add3A_324 = arith.addf %select_n3A_322, %select_n3A_323 : vector<400x1xf32>
    %mul3A_325 = arith.constant 5.000000e-01 : f32
    %mul3A_326 = vector.broadcast %mul3A_325 : f32 to vector<400x1xf32>
    %mul3A_327 = arith.mulf %mul3A_326, %add3A_324 : vector<400x1xf32>
    %gt3A_328 = vector.broadcast %mul3A_327 : vector<400x1xf32> to vector<400x2000xf32>
    %gt3A_329 = arith.cmpf ogt, %get3A_4, %gt3A_328 : vector<400x2000xf32>
    %jit3A_330 = arith.constant 1.000000e+00 : f32
    %jit3A_331 = arith.constant 0.000000e+00 : f32
    %broadcast_in_dim3A_332 = vector.broadcast %jit3A_330 : f32 to vector<400x2000xf32>
    %broadcast_in_dim3A_333 = vector.broadcast %jit3A_331 : f32 to vector<400x2000xf32>
    %select_n3A_334 = arith.select %gt3A_329, %broadcast_in_dim3A_332, %broadcast_in_dim3A_333 : vector<400x2000xi1>, vector<400x2000xf32>
    %reduce_sum3A_335 = arith.constant dense<0.000000e+00> : vector<400xf32>
    %reduce_sum3A_336 = vector.multi_reduction <add>, %select_n3A_334, %reduce_sum3A_335 [1] : vector<400x2000xf32> to vector<400xf32>
    %broadcast_in_dim3A_337 = vector.shape_cast %reduce_sum3A_336 : vector<400xf32> to vector<400x1xf32>
    %ge3A_338 = arith.constant 3.000000e+01 : f32
    %ge3A_339 = vector.broadcast %ge3A_338 : f32 to vector<400x1xf32>
    %ge3A_340 = arith.cmpf oge, %broadcast_in_dim3A_337, %ge3A_339 : vector<400x1xf32>
    %select_n3A_341 = arith.select %ge3A_340, %mul3A_327, %select_n3A_322 : vector<400x1xi1>, vector<400x1xf32>
    %select_n3A_342 = arith.select %ge3A_340, %select_n3A_323, %mul3A_327 : vector<400x1xi1>, vector<400x1xf32>
    %add3A_343 = arith.addf %select_n3A_341, %select_n3A_342 : vector<400x1xf32>
    %mul3A_344 = arith.constant 5.000000e-01 : f32
    %mul3A_345 = vector.broadcast %mul3A_344 : f32 to vector<400x1xf32>
    %mul3A_346 = arith.mulf %mul3A_345, %add3A_343 : vector<400x1xf32>
    %gt3A_347 = vector.broadcast %mul3A_346 : vector<400x1xf32> to vector<400x2000xf32>
    %gt3A_348 = arith.cmpf ogt, %get3A_4, %gt3A_347 : vector<400x2000xf32>
    %jit3A_349 = arith.constant 1.000000e+00 : f32
    %jit3A_350 = arith.constant 0.000000e+00 : f32
    %broadcast_in_dim3A_351 = vector.broadcast %jit3A_349 : f32 to vector<400x2000xf32>
    %broadcast_in_dim3A_352 = vector.broadcast %jit3A_350 : f32 to vector<400x2000xf32>
    %select_n3A_353 = arith.select %gt3A_348, %broadcast_in_dim3A_351, %broadcast_in_dim3A_352 : vector<400x2000xi1>, vector<400x2000xf32>
    %reduce_sum3A_354 = arith.constant dense<0.000000e+00> : vector<400xf32>
    %reduce_sum3A_355 = vector.multi_reduction <add>, %select_n3A_353, %reduce_sum3A_354 [1] : vector<400x2000xf32> to vector<400xf32>
    %broadcast_in_dim3A_356 = vector.shape_cast %reduce_sum3A_355 : vector<400xf32> to vector<400x1xf32>
    %ge3A_357 = arith.constant 3.000000e+01 : f32
    %ge3A_358 = vector.broadcast %ge3A_357 : f32 to vector<400x1xf32>
    %ge3A_359 = arith.cmpf oge, %broadcast_in_dim3A_356, %ge3A_358 : vector<400x1xf32>
    %select_n3A_360 = arith.select %ge3A_359, %mul3A_346, %select_n3A_341 : vector<400x1xi1>, vector<400x1xf32>
    %select_n3A_361 = arith.select %ge3A_359, %select_n3A_342, %mul3A_346 : vector<400x1xi1>, vector<400x1xf32>
    %add3A_362 = arith.addf %select_n3A_360, %select_n3A_361 : vector<400x1xf32>
    %mul3A_363 = arith.constant 5.000000e-01 : f32
    %mul3A_364 = vector.broadcast %mul3A_363 : f32 to vector<400x1xf32>
    %mul3A_365 = arith.mulf %mul3A_364, %add3A_362 : vector<400x1xf32>
    %gt3A_366 = vector.broadcast %mul3A_365 : vector<400x1xf32> to vector<400x2000xf32>
    %gt3A_367 = arith.cmpf ogt, %get3A_4, %gt3A_366 : vector<400x2000xf32>
    %jit3A_368 = arith.constant 1.000000e+00 : f32
    %jit3A_369 = arith.constant 0.000000e+00 : f32
    %broadcast_in_dim3A_370 = vector.broadcast %jit3A_368 : f32 to vector<400x2000xf32>
    %broadcast_in_dim3A_371 = vector.broadcast %jit3A_369 : f32 to vector<400x2000xf32>
    %select_n3A_372 = arith.select %gt3A_367, %broadcast_in_dim3A_370, %broadcast_in_dim3A_371 : vector<400x2000xi1>, vector<400x2000xf32>
    %reduce_sum3A_373 = arith.constant dense<0.000000e+00> : vector<400xf32>
    %reduce_sum3A_374 = vector.multi_reduction <add>, %select_n3A_372, %reduce_sum3A_373 [1] : vector<400x2000xf32> to vector<400xf32>
    %broadcast_in_dim3A_375 = vector.shape_cast %reduce_sum3A_374 : vector<400xf32> to vector<400x1xf32>
    %ge3A_376 = arith.constant 3.000000e+01 : f32
    %ge3A_377 = vector.broadcast %ge3A_376 : f32 to vector<400x1xf32>
    %ge3A_378 = arith.cmpf oge, %broadcast_in_dim3A_375, %ge3A_377 : vector<400x1xf32>
    %select_n3A_379 = arith.select %ge3A_378, %mul3A_365, %select_n3A_360 : vector<400x1xi1>, vector<400x1xf32>
    %select_n3A_380 = arith.select %ge3A_378, %select_n3A_361, %mul3A_365 : vector<400x1xi1>, vector<400x1xf32>
    %add3A_381 = arith.addf %select_n3A_379, %select_n3A_380 : vector<400x1xf32>
    %mul3A_382 = arith.constant 5.000000e-01 : f32
    %mul3A_383 = vector.broadcast %mul3A_382 : f32 to vector<400x1xf32>
    %mul3A_384 = arith.mulf %mul3A_383, %add3A_381 : vector<400x1xf32>
    %gt3A_385 = vector.broadcast %mul3A_384 : vector<400x1xf32> to vector<400x2000xf32>
    %gt3A_386 = arith.cmpf ogt, %get3A_4, %gt3A_385 : vector<400x2000xf32>
    %jit3A_387 = arith.constant 1.000000e+00 : f32
    %jit3A_388 = arith.constant 0.000000e+00 : f32
    %broadcast_in_dim3A_389 = vector.broadcast %jit3A_387 : f32 to vector<400x2000xf32>
    %broadcast_in_dim3A_390 = vector.broadcast %jit3A_388 : f32 to vector<400x2000xf32>
    %select_n3A_391 = arith.select %gt3A_386, %broadcast_in_dim3A_389, %broadcast_in_dim3A_390 : vector<400x2000xi1>, vector<400x2000xf32>
    %reduce_sum3A_392 = arith.constant dense<0.000000e+00> : vector<400xf32>
    %reduce_sum3A_393 = vector.multi_reduction <add>, %select_n3A_391, %reduce_sum3A_392 [1] : vector<400x2000xf32> to vector<400xf32>
    %broadcast_in_dim3A_394 = vector.shape_cast %reduce_sum3A_393 : vector<400xf32> to vector<400x1xf32>
    %ge3A_395 = arith.constant 3.000000e+01 : f32
    %ge3A_396 = vector.broadcast %ge3A_395 : f32 to vector<400x1xf32>
    %ge3A_397 = arith.cmpf oge, %broadcast_in_dim3A_394, %ge3A_396 : vector<400x1xf32>
    %select_n3A_398 = arith.select %ge3A_397, %mul3A_384, %select_n3A_379 : vector<400x1xi1>, vector<400x1xf32>
    %select_n3A_399 = arith.select %ge3A_397, %select_n3A_380, %mul3A_384 : vector<400x1xi1>, vector<400x1xf32>
    %add3A_400 = arith.addf %select_n3A_398, %select_n3A_399 : vector<400x1xf32>
    %mul3A_401 = arith.constant 5.000000e-01 : f32
    %mul3A_402 = vector.broadcast %mul3A_401 : f32 to vector<400x1xf32>
    %mul3A_403 = arith.mulf %mul3A_402, %add3A_400 : vector<400x1xf32>
    %gt3A_404 = vector.broadcast %mul3A_403 : vector<400x1xf32> to vector<400x2000xf32>
    %gt3A_405 = arith.cmpf ogt, %get3A_4, %gt3A_404 : vector<400x2000xf32>
    %jit3A_406 = arith.constant 1.000000e+00 : f32
    %jit3A_407 = arith.constant 0.000000e+00 : f32
    %broadcast_in_dim3A_408 = vector.broadcast %jit3A_406 : f32 to vector<400x2000xf32>
    %broadcast_in_dim3A_409 = vector.broadcast %jit3A_407 : f32 to vector<400x2000xf32>
    %select_n3A_410 = arith.select %gt3A_405, %broadcast_in_dim3A_408, %broadcast_in_dim3A_409 : vector<400x2000xi1>, vector<400x2000xf32>
    %reduce_sum3A_411 = arith.constant dense<0.000000e+00> : vector<400xf32>
    %reduce_sum3A_412 = vector.multi_reduction <add>, %select_n3A_410, %reduce_sum3A_411 [1] : vector<400x2000xf32> to vector<400xf32>
    %broadcast_in_dim3A_413 = vector.shape_cast %reduce_sum3A_412 : vector<400xf32> to vector<400x1xf32>
    %ge3A_414 = arith.constant 3.000000e+01 : f32
    %ge3A_415 = vector.broadcast %ge3A_414 : f32 to vector<400x1xf32>
    %ge3A_416 = arith.cmpf oge, %broadcast_in_dim3A_413, %ge3A_415 : vector<400x1xf32>
    %select_n3A_417 = arith.select %ge3A_416, %mul3A_403, %select_n3A_398 : vector<400x1xi1>, vector<400x1xf32>
    %select_n3A_418 = arith.select %ge3A_416, %select_n3A_399, %mul3A_403 : vector<400x1xi1>, vector<400x1xf32>
    %add3A_419 = arith.addf %select_n3A_417, %select_n3A_418 : vector<400x1xf32>
    %mul3A_420 = arith.constant 5.000000e-01 : f32
    %mul3A_421 = vector.broadcast %mul3A_420 : f32 to vector<400x1xf32>
    %mul3A_422 = arith.mulf %mul3A_421, %add3A_419 : vector<400x1xf32>
    %gt3A_423 = vector.broadcast %mul3A_422 : vector<400x1xf32> to vector<400x2000xf32>
    %gt3A_424 = arith.cmpf ogt, %get3A_4, %gt3A_423 : vector<400x2000xf32>
    %jit3A_425 = arith.constant 1.000000e+00 : f32
    %jit3A_426 = arith.constant 0.000000e+00 : f32
    %broadcast_in_dim3A_427 = vector.broadcast %jit3A_425 : f32 to vector<400x2000xf32>
    %broadcast_in_dim3A_428 = vector.broadcast %jit3A_426 : f32 to vector<400x2000xf32>
    %select_n3A_429 = arith.select %gt3A_424, %broadcast_in_dim3A_427, %broadcast_in_dim3A_428 : vector<400x2000xi1>, vector<400x2000xf32>
    %reduce_sum3A_430 = arith.constant dense<0.000000e+00> : vector<400xf32>
    %reduce_sum3A_431 = vector.multi_reduction <add>, %select_n3A_429, %reduce_sum3A_430 [1] : vector<400x2000xf32> to vector<400xf32>
    %broadcast_in_dim3A_432 = vector.shape_cast %reduce_sum3A_431 : vector<400xf32> to vector<400x1xf32>
    %ge3A_433 = arith.constant 3.000000e+01 : f32
    %ge3A_434 = vector.broadcast %ge3A_433 : f32 to vector<400x1xf32>
    %ge3A_435 = arith.cmpf oge, %broadcast_in_dim3A_432, %ge3A_434 : vector<400x1xf32>
    %select_n3A_436 = arith.select %ge3A_435, %mul3A_422, %select_n3A_417 : vector<400x1xi1>, vector<400x1xf32>
    %select_n3A_437 = arith.select %ge3A_435, %select_n3A_418, %mul3A_422 : vector<400x1xi1>, vector<400x1xf32>
    %add3A_438 = arith.addf %select_n3A_436, %select_n3A_437 : vector<400x1xf32>
    %mul3A_439 = arith.constant 5.000000e-01 : f32
    %mul3A_440 = vector.broadcast %mul3A_439 : f32 to vector<400x1xf32>
    %mul3A_441 = arith.mulf %mul3A_440, %add3A_438 : vector<400x1xf32>
    %gt3A_442 = vector.broadcast %mul3A_441 : vector<400x1xf32> to vector<400x2000xf32>
    %gt3A_443 = arith.cmpf ogt, %get3A_4, %gt3A_442 : vector<400x2000xf32>
    %jit3A_444 = arith.constant 1.000000e+00 : f32
    %jit3A_445 = arith.constant 0.000000e+00 : f32
    %broadcast_in_dim3A_446 = vector.broadcast %jit3A_444 : f32 to vector<400x2000xf32>
    %broadcast_in_dim3A_447 = vector.broadcast %jit3A_445 : f32 to vector<400x2000xf32>
    %select_n3A_448 = arith.select %gt3A_443, %broadcast_in_dim3A_446, %broadcast_in_dim3A_447 : vector<400x2000xi1>, vector<400x2000xf32>
    %reduce_sum3A_449 = arith.constant dense<0.000000e+00> : vector<400xf32>
    %reduce_sum3A_450 = vector.multi_reduction <add>, %select_n3A_448, %reduce_sum3A_449 [1] : vector<400x2000xf32> to vector<400xf32>
    %broadcast_in_dim3A_451 = vector.shape_cast %reduce_sum3A_450 : vector<400xf32> to vector<400x1xf32>
    %ge3A_452 = arith.constant 3.000000e+01 : f32
    %ge3A_453 = vector.broadcast %ge3A_452 : f32 to vector<400x1xf32>
    %ge3A_454 = arith.cmpf oge, %broadcast_in_dim3A_451, %ge3A_453 : vector<400x1xf32>
    %select_n3A_455 = arith.select %ge3A_454, %mul3A_441, %select_n3A_436 : vector<400x1xi1>, vector<400x1xf32>
    %select_n3A_456 = arith.select %ge3A_454, %select_n3A_437, %mul3A_441 : vector<400x1xi1>, vector<400x1xf32>
    %add3A_457 = arith.addf %select_n3A_455, %select_n3A_456 : vector<400x1xf32>
    %mul3A_458 = arith.constant 5.000000e-01 : f32
    %mul3A_459 = vector.broadcast %mul3A_458 : f32 to vector<400x1xf32>
    %mul3A_460 = arith.mulf %mul3A_459, %add3A_457 : vector<400x1xf32>
    %gt3A_461 = vector.broadcast %mul3A_460 : vector<400x1xf32> to vector<400x2000xf32>
    %gt3A_462 = arith.cmpf ogt, %get3A_4, %gt3A_461 : vector<400x2000xf32>
    %jit3A_463 = arith.constant 1.000000e+00 : f32
    %jit3A_464 = arith.constant 0.000000e+00 : f32
    %broadcast_in_dim3A_465 = vector.broadcast %jit3A_463 : f32 to vector<400x2000xf32>
    %broadcast_in_dim3A_466 = vector.broadcast %jit3A_464 : f32 to vector<400x2000xf32>
    %select_n3A_467 = arith.select %gt3A_462, %broadcast_in_dim3A_465, %broadcast_in_dim3A_466 : vector<400x2000xi1>, vector<400x2000xf32>
    %reduce_sum3A_468 = arith.constant dense<0.000000e+00> : vector<400xf32>
    %reduce_sum3A_469 = vector.multi_reduction <add>, %select_n3A_467, %reduce_sum3A_468 [1] : vector<400x2000xf32> to vector<400xf32>
    %broadcast_in_dim3A_470 = vector.shape_cast %reduce_sum3A_469 : vector<400xf32> to vector<400x1xf32>
    %ge3A_471 = arith.constant 3.000000e+01 : f32
    %ge3A_472 = vector.broadcast %ge3A_471 : f32 to vector<400x1xf32>
    %ge3A_473 = arith.cmpf oge, %broadcast_in_dim3A_470, %ge3A_472 : vector<400x1xf32>
    %select_n3A_474 = arith.select %ge3A_473, %mul3A_460, %select_n3A_455 : vector<400x1xi1>, vector<400x1xf32>
    %select_n3A_475 = arith.select %ge3A_473, %select_n3A_456, %mul3A_460 : vector<400x1xi1>, vector<400x1xf32>
    %add3A_476 = arith.addf %select_n3A_474, %select_n3A_475 : vector<400x1xf32>
    %mul3A_477 = arith.constant 5.000000e-01 : f32
    %mul3A_478 = vector.broadcast %mul3A_477 : f32 to vector<400x1xf32>
    %mul3A_479 = arith.mulf %mul3A_478, %add3A_476 : vector<400x1xf32>
    %gt3A_480 = vector.broadcast %mul3A_479 : vector<400x1xf32> to vector<400x2000xf32>
    %gt3A_481 = arith.cmpf ogt, %get3A_4, %gt3A_480 : vector<400x2000xf32>
    %jit3A_482 = arith.constant 1.000000e+00 : f32
    %jit3A_483 = arith.constant 0.000000e+00 : f32
    %broadcast_in_dim3A_484 = vector.broadcast %jit3A_482 : f32 to vector<400x2000xf32>
    %broadcast_in_dim3A_485 = vector.broadcast %jit3A_483 : f32 to vector<400x2000xf32>
    %select_n3A_486 = arith.select %gt3A_481, %broadcast_in_dim3A_484, %broadcast_in_dim3A_485 : vector<400x2000xi1>, vector<400x2000xf32>
    %reduce_sum3A_487 = arith.constant dense<0.000000e+00> : vector<400xf32>
    %reduce_sum3A_488 = vector.multi_reduction <add>, %select_n3A_486, %reduce_sum3A_487 [1] : vector<400x2000xf32> to vector<400xf32>
    %broadcast_in_dim3A_489 = vector.shape_cast %reduce_sum3A_488 : vector<400xf32> to vector<400x1xf32>
    %ge3A_490 = arith.constant 3.000000e+01 : f32
    %ge3A_491 = vector.broadcast %ge3A_490 : f32 to vector<400x1xf32>
    %ge3A_492 = arith.cmpf oge, %broadcast_in_dim3A_489, %ge3A_491 : vector<400x1xf32>
    %select_n3A_493 = arith.select %ge3A_492, %mul3A_479, %select_n3A_474 : vector<400x1xi1>, vector<400x1xf32>
    %select_n3A_494 = arith.select %ge3A_492, %select_n3A_475, %mul3A_479 : vector<400x1xi1>, vector<400x1xf32>
    %add3A_495 = arith.addf %select_n3A_493, %select_n3A_494 : vector<400x1xf32>
    %mul3A_496 = arith.constant 5.000000e-01 : f32
    %mul3A_497 = vector.broadcast %mul3A_496 : f32 to vector<400x1xf32>
    %mul3A_498 = arith.mulf %mul3A_497, %add3A_495 : vector<400x1xf32>
    %gt3A_499 = vector.broadcast %mul3A_498 : vector<400x1xf32> to vector<400x2000xf32>
    %gt3A_500 = arith.cmpf ogt, %get3A_4, %gt3A_499 : vector<400x2000xf32>
    %jit3A_501 = arith.constant 1.000000e+00 : f32
    %jit3A_502 = arith.constant 0.000000e+00 : f32
    %broadcast_in_dim3A_503 = vector.broadcast %jit3A_501 : f32 to vector<400x2000xf32>
    %broadcast_in_dim3A_504 = vector.broadcast %jit3A_502 : f32 to vector<400x2000xf32>
    %select_n3A_505 = arith.select %gt3A_500, %broadcast_in_dim3A_503, %broadcast_in_dim3A_504 : vector<400x2000xi1>, vector<400x2000xf32>
    %reduce_sum3A_506 = arith.constant dense<0.000000e+00> : vector<400xf32>
    %reduce_sum3A_507 = vector.multi_reduction <add>, %select_n3A_505, %reduce_sum3A_506 [1] : vector<400x2000xf32> to vector<400xf32>
    %broadcast_in_dim3A_508 = vector.shape_cast %reduce_sum3A_507 : vector<400xf32> to vector<400x1xf32>
    %ge3A_509 = arith.constant 3.000000e+01 : f32
    %ge3A_510 = vector.broadcast %ge3A_509 : f32 to vector<400x1xf32>
    %ge3A_511 = arith.cmpf oge, %broadcast_in_dim3A_508, %ge3A_510 : vector<400x1xf32>
    %select_n3A_512 = arith.select %ge3A_511, %mul3A_498, %select_n3A_493 : vector<400x1xi1>, vector<400x1xf32>
    %select_n3A_513 = arith.select %ge3A_511, %select_n3A_494, %mul3A_498 : vector<400x1xi1>, vector<400x1xf32>
    %add3A_514 = arith.addf %select_n3A_512, %select_n3A_513 : vector<400x1xf32>
    %mul3A_515 = arith.constant 5.000000e-01 : f32
    %mul3A_516 = vector.broadcast %mul3A_515 : f32 to vector<400x1xf32>
    %mul3A_517 = arith.mulf %mul3A_516, %add3A_514 : vector<400x1xf32>
    %gt3A_518 = vector.broadcast %mul3A_517 : vector<400x1xf32> to vector<400x2000xf32>
    %gt3A_519 = arith.cmpf ogt, %get3A_4, %gt3A_518 : vector<400x2000xf32>
    %jit3A_520 = arith.constant 1.000000e+00 : f32
    %jit3A_521 = arith.constant 0.000000e+00 : f32
    %broadcast_in_dim3A_522 = vector.broadcast %jit3A_520 : f32 to vector<400x2000xf32>
    %broadcast_in_dim3A_523 = vector.broadcast %jit3A_521 : f32 to vector<400x2000xf32>
    %select_n3A_524 = arith.select %gt3A_519, %broadcast_in_dim3A_522, %broadcast_in_dim3A_523 : vector<400x2000xi1>, vector<400x2000xf32>
    %reduce_sum3A_525 = arith.constant dense<0.000000e+00> : vector<400xf32>
    %reduce_sum3A_526 = vector.multi_reduction <add>, %select_n3A_524, %reduce_sum3A_525 [1] : vector<400x2000xf32> to vector<400xf32>
    %broadcast_in_dim3A_527 = vector.shape_cast %reduce_sum3A_526 : vector<400xf32> to vector<400x1xf32>
    %ge3A_528 = arith.constant 3.000000e+01 : f32
    %ge3A_529 = vector.broadcast %ge3A_528 : f32 to vector<400x1xf32>
    %ge3A_530 = arith.cmpf oge, %broadcast_in_dim3A_527, %ge3A_529 : vector<400x1xf32>
    %select_n3A_531 = arith.select %ge3A_530, %mul3A_517, %select_n3A_512 : vector<400x1xi1>, vector<400x1xf32>
    %select_n3A_532 = arith.select %ge3A_530, %select_n3A_513, %mul3A_517 : vector<400x1xi1>, vector<400x1xf32>
    %add3A_533 = arith.addf %select_n3A_531, %select_n3A_532 : vector<400x1xf32>
    %mul3A_534 = arith.constant 5.000000e-01 : f32
    %mul3A_535 = vector.broadcast %mul3A_534 : f32 to vector<400x1xf32>
    %mul3A_536 = arith.mulf %mul3A_535, %add3A_533 : vector<400x1xf32>
    %gt3A_537 = vector.broadcast %mul3A_536 : vector<400x1xf32> to vector<400x2000xf32>
    %gt3A_538 = arith.cmpf ogt, %get3A_4, %gt3A_537 : vector<400x2000xf32>
    %jit3A_539 = arith.constant 1.000000e+00 : f32
    %jit3A_540 = arith.constant 0.000000e+00 : f32
    %broadcast_in_dim3A_541 = vector.broadcast %jit3A_539 : f32 to vector<400x2000xf32>
    %broadcast_in_dim3A_542 = vector.broadcast %jit3A_540 : f32 to vector<400x2000xf32>
    %select_n3A_543 = arith.select %gt3A_538, %broadcast_in_dim3A_541, %broadcast_in_dim3A_542 : vector<400x2000xi1>, vector<400x2000xf32>
    %reduce_sum3A_544 = arith.constant dense<0.000000e+00> : vector<400xf32>
    %reduce_sum3A_545 = vector.multi_reduction <add>, %select_n3A_543, %reduce_sum3A_544 [1] : vector<400x2000xf32> to vector<400xf32>
    %broadcast_in_dim3A_546 = vector.shape_cast %reduce_sum3A_545 : vector<400xf32> to vector<400x1xf32>
    %ge3A_547 = arith.constant 3.000000e+01 : f32
    %ge3A_548 = vector.broadcast %ge3A_547 : f32 to vector<400x1xf32>
    %ge3A_549 = arith.cmpf oge, %broadcast_in_dim3A_546, %ge3A_548 : vector<400x1xf32>
    %select_n3A_550 = arith.select %ge3A_549, %mul3A_536, %select_n3A_531 : vector<400x1xi1>, vector<400x1xf32>
    %select_n3A_551 = arith.select %ge3A_549, %select_n3A_532, %mul3A_536 : vector<400x1xi1>, vector<400x1xf32>
    %add3A_552 = arith.addf %select_n3A_550, %select_n3A_551 : vector<400x1xf32>
    %mul3A_553 = arith.constant 5.000000e-01 : f32
    %mul3A_554 = vector.broadcast %mul3A_553 : f32 to vector<400x1xf32>
    %mul3A_555 = arith.mulf %mul3A_554, %add3A_552 : vector<400x1xf32>
    %gt3A_556 = vector.broadcast %mul3A_555 : vector<400x1xf32> to vector<400x2000xf32>
    %gt3A_557 = arith.cmpf ogt, %get3A_4, %gt3A_556 : vector<400x2000xf32>
    %jit3A_558 = arith.constant 1.000000e+00 : f32
    %jit3A_559 = arith.constant 0.000000e+00 : f32
    %broadcast_in_dim3A_560 = vector.broadcast %jit3A_558 : f32 to vector<400x2000xf32>
    %broadcast_in_dim3A_561 = vector.broadcast %jit3A_559 : f32 to vector<400x2000xf32>
    %select_n3A_562 = arith.select %gt3A_557, %broadcast_in_dim3A_560, %broadcast_in_dim3A_561 : vector<400x2000xi1>, vector<400x2000xf32>
    %reduce_sum3A_563 = arith.constant dense<0.000000e+00> : vector<400xf32>
    %reduce_sum3A_564 = vector.multi_reduction <add>, %select_n3A_562, %reduce_sum3A_563 [1] : vector<400x2000xf32> to vector<400xf32>
    %broadcast_in_dim3A_565 = vector.shape_cast %reduce_sum3A_564 : vector<400xf32> to vector<400x1xf32>
    %ge3A_566 = arith.constant 3.000000e+01 : f32
    %ge3A_567 = vector.broadcast %ge3A_566 : f32 to vector<400x1xf32>
    %ge3A_568 = arith.cmpf oge, %broadcast_in_dim3A_565, %ge3A_567 : vector<400x1xf32>
    %select_n3A_569 = arith.select %ge3A_568, %mul3A_555, %select_n3A_550 : vector<400x1xi1>, vector<400x1xf32>
    %select_n3A_570 = arith.select %ge3A_568, %select_n3A_551, %mul3A_555 : vector<400x1xi1>, vector<400x1xf32>
    %add3A_571 = arith.addf %select_n3A_569, %select_n3A_570 : vector<400x1xf32>
    %mul3A_572 = arith.constant 5.000000e-01 : f32
    %mul3A_573 = vector.broadcast %mul3A_572 : f32 to vector<400x1xf32>
    %mul3A_574 = arith.mulf %mul3A_573, %add3A_571 : vector<400x1xf32>
    %gt3A_575 = vector.broadcast %mul3A_574 : vector<400x1xf32> to vector<400x2000xf32>
    %gt3A_576 = arith.cmpf ogt, %get3A_4, %gt3A_575 : vector<400x2000xf32>
    %jit3A_577 = arith.constant 1.000000e+00 : f32
    %jit3A_578 = arith.constant 0.000000e+00 : f32
    %broadcast_in_dim3A_579 = vector.broadcast %jit3A_577 : f32 to vector<400x2000xf32>
    %broadcast_in_dim3A_580 = vector.broadcast %jit3A_578 : f32 to vector<400x2000xf32>
    %select_n3A_581 = arith.select %gt3A_576, %broadcast_in_dim3A_579, %broadcast_in_dim3A_580 : vector<400x2000xi1>, vector<400x2000xf32>
    %reduce_sum3A_582 = arith.constant dense<0.000000e+00> : vector<400xf32>
    %reduce_sum3A_583 = vector.multi_reduction <add>, %select_n3A_581, %reduce_sum3A_582 [1] : vector<400x2000xf32> to vector<400xf32>
    %broadcast_in_dim3A_584 = vector.shape_cast %reduce_sum3A_583 : vector<400xf32> to vector<400x1xf32>
    %ge3A_585 = arith.constant 3.000000e+01 : f32
    %ge3A_586 = vector.broadcast %ge3A_585 : f32 to vector<400x1xf32>
    %ge3A_587 = arith.cmpf oge, %broadcast_in_dim3A_584, %ge3A_586 : vector<400x1xf32>
    %select_n3A_588 = arith.select %ge3A_587, %mul3A_574, %select_n3A_569 : vector<400x1xi1>, vector<400x1xf32>
    %select_n3A_589 = arith.select %ge3A_587, %select_n3A_570, %mul3A_574 : vector<400x1xi1>, vector<400x1xf32>
    %add3A_590 = arith.addf %select_n3A_588, %select_n3A_589 : vector<400x1xf32>
    %mul3A_591 = arith.constant 5.000000e-01 : f32
    %mul3A_592 = vector.broadcast %mul3A_591 : f32 to vector<400x1xf32>
    %mul3A_593 = arith.mulf %mul3A_592, %add3A_590 : vector<400x1xf32>
    %gt3A_594 = vector.broadcast %mul3A_593 : vector<400x1xf32> to vector<400x2000xf32>
    %gt3A_595 = arith.cmpf ogt, %get3A_4, %gt3A_594 : vector<400x2000xf32>
    %jit3A_596 = arith.constant 1.000000e+00 : f32
    %jit3A_597 = arith.constant 0.000000e+00 : f32
    %broadcast_in_dim3A_598 = vector.broadcast %jit3A_596 : f32 to vector<400x2000xf32>
    %broadcast_in_dim3A_599 = vector.broadcast %jit3A_597 : f32 to vector<400x2000xf32>
    %select_n3A_600 = arith.select %gt3A_595, %broadcast_in_dim3A_598, %broadcast_in_dim3A_599 : vector<400x2000xi1>, vector<400x2000xf32>
    %reduce_sum3A_601 = arith.constant dense<0.000000e+00> : vector<400xf32>
    %reduce_sum3A_602 = vector.multi_reduction <add>, %select_n3A_600, %reduce_sum3A_601 [1] : vector<400x2000xf32> to vector<400xf32>
    %broadcast_in_dim3A_603 = vector.shape_cast %reduce_sum3A_602 : vector<400xf32> to vector<400x1xf32>
    %ge3A_604 = arith.constant 3.000000e+01 : f32
    %ge3A_605 = vector.broadcast %ge3A_604 : f32 to vector<400x1xf32>
    %ge3A_606 = arith.cmpf oge, %broadcast_in_dim3A_603, %ge3A_605 : vector<400x1xf32>
    %select_n3A_607 = arith.select %ge3A_606, %mul3A_593, %select_n3A_588 : vector<400x1xi1>, vector<400x1xf32>
    %select_n3A_608 = arith.select %ge3A_606, %select_n3A_589, %mul3A_593 : vector<400x1xi1>, vector<400x1xf32>
    %add3A_609 = arith.addf %select_n3A_607, %select_n3A_608 : vector<400x1xf32>
    %mul3A_610 = arith.constant 5.000000e-01 : f32
    %mul3A_611 = vector.broadcast %mul3A_610 : f32 to vector<400x1xf32>
    %mul3A_612 = arith.mulf %mul3A_611, %add3A_609 : vector<400x1xf32>
    %gt3A_613 = vector.broadcast %mul3A_612 : vector<400x1xf32> to vector<400x2000xf32>
    %gt3A_614 = arith.cmpf ogt, %get3A_4, %gt3A_613 : vector<400x2000xf32>
    %jit3A_615 = arith.constant 1.000000e+00 : f32
    %jit3A_616 = arith.constant 0.000000e+00 : f32
    %broadcast_in_dim3A_617 = vector.broadcast %jit3A_615 : f32 to vector<400x2000xf32>
    %broadcast_in_dim3A_618 = vector.broadcast %jit3A_616 : f32 to vector<400x2000xf32>
    %select_n3A_619 = arith.select %gt3A_614, %broadcast_in_dim3A_617, %broadcast_in_dim3A_618 : vector<400x2000xi1>, vector<400x2000xf32>
    %reduce_sum3A_620 = arith.constant dense<0.000000e+00> : vector<400xf32>
    %reduce_sum3A_621 = vector.multi_reduction <add>, %select_n3A_619, %reduce_sum3A_620 [1] : vector<400x2000xf32> to vector<400xf32>
    %broadcast_in_dim3A_622 = vector.shape_cast %reduce_sum3A_621 : vector<400xf32> to vector<400x1xf32>
    %ge3A_623 = arith.constant 3.000000e+01 : f32
    %ge3A_624 = vector.broadcast %ge3A_623 : f32 to vector<400x1xf32>
    %ge3A_625 = arith.cmpf oge, %broadcast_in_dim3A_622, %ge3A_624 : vector<400x1xf32>
    %select_n3A_626 = arith.select %ge3A_625, %select_n3A_608, %mul3A_612 : vector<400x1xi1>, vector<400x1xf32>
    %gt3A_627 = vector.broadcast %select_n3A_626 : vector<400x1xf32> to vector<400x2000xf32>
    %gt3A_628 = arith.cmpf ogt, %get3A_4, %gt3A_627 : vector<400x2000xf32>
    %jit3A_629 = arith.constant 1.000000e+00 : f32
    %jit3A_630 = arith.constant 0.000000e+00 : f32
    %broadcast_in_dim3A_631 = vector.broadcast %jit3A_629 : f32 to vector<400x2000xf32>
    %broadcast_in_dim3A_632 = vector.broadcast %jit3A_630 : f32 to vector<400x2000xf32>
    %select_n3A_633 = arith.select %gt3A_628, %broadcast_in_dim3A_631, %broadcast_in_dim3A_632 : vector<400x2000xi1>, vector<400x2000xf32>
    %reduce_sum3A_634 = arith.constant dense<0.000000e+00> : vector<400xf32>
    %reduce_sum3A_635 = vector.multi_reduction <add>, %select_n3A_633, %reduce_sum3A_634 [1] : vector<400x2000xf32> to vector<400xf32>
    %broadcast_in_dim3A_636 = vector.shape_cast %reduce_sum3A_635 : vector<400xf32> to vector<400x1xf32>
    %eq3A = vector.broadcast %select_n3A_626 : vector<400x1xf32> to vector<400x2000xf32>
    %eq3A_637 = arith.cmpf oeq, %get3A_4, %eq3A : vector<400x2000xf32>
    %sub3A = arith.constant 3.000000e+01 : f32
    %sub3A_638 = vector.broadcast %sub3A : f32 to vector<400x1xf32>
    %sub3A_639 = arith.subf %sub3A_638, %broadcast_in_dim3A_636 : vector<400x1xf32>
    %iota3A = tpu.iota {dimensions = array<i32: 1>} : vector<400x2000xi32>
    %broadcast_in_dim3A_640 = arith.constant -1 : i32
    %broadcast_in_dim3A_641 = vector.broadcast %broadcast_in_dim3A_640 : i32 to vector<400x1xi32>
    %broadcast_in_dim3A_642 = arith.constant 1999 : i32
    %broadcast_in_dim3A_643 = vector.broadcast %broadcast_in_dim3A_642 : i32 to vector<400x1xi32>
    %add3A_644 = arith.addi %broadcast_in_dim3A_641, %broadcast_in_dim3A_643 : vector<400x1xi32>
    %jit3A_645 = arith.constant 2 : i32
    %div3A = vector.broadcast %jit3A_645 : i32 to vector<400x1xi32>
    %div3A_646 = arith.divsi %add3A_644, %div3A : vector<400x1xi32>
    %sign3A = arith.constant 0 : i32
    %sign3A_647 = vector.broadcast %sign3A : i32 to vector<400x1xi32>
    %sign3A_648 = arith.cmpi sgt, %add3A_644, %sign3A_647 : vector<400x1xi32>
    %sign3A_649 = arith.extui %sign3A_648 : vector<400x1xi1> to vector<400x1xi32>
    %sign3A_650 = arith.constant 0 : i32
    %sign3A_651 = vector.broadcast %sign3A_650 : i32 to vector<400x1xi32>
    %sign3A_652 = arith.cmpi slt, %add3A_644, %sign3A_651 : vector<400x1xi32>
    %sign3A_653 = arith.extui %sign3A_652 : vector<400x1xi1> to vector<400x1xi32>
    %sign3A_654 = arith.subi %sign3A_649, %sign3A_653 : vector<400x1xi32>
    %sign3A_655 = arith.constant 0 : i32
    %sign3A_656 = arith.cmpi sgt, %jit3A_645, %sign3A_655 : i32
    %sign3A_657 = arith.extui %sign3A_656 : i1 to i32
    %sign3A_658 = arith.constant 0 : i32
    %sign3A_659 = arith.cmpi slt, %jit3A_645, %sign3A_658 : i32
    %sign3A_660 = arith.extui %sign3A_659 : i1 to i32
    %sign3A_661 = arith.subi %sign3A_657, %sign3A_660 : i32
    %ne3A = vector.broadcast %sign3A_661 : i32 to vector<400x1xi32>
    %ne3A_662 = arith.cmpi ne, %sign3A_654, %ne3A : vector<400x1xi32>
    %rem3A = vector.broadcast %jit3A_645 : i32 to vector<400x1xi32>
    %rem3A_663 = arith.remsi %add3A_644, %rem3A : vector<400x1xi32>
    %ne3A_664 = arith.constant 0 : i32
    %ne3A_665 = vector.broadcast %ne3A_664 : i32 to vector<400x1xi32>
    %ne3A_666 = arith.cmpi ne, %rem3A_663, %ne3A_665 : vector<400x1xi32>
    %and3A = arith.andi %ne3A_662, %ne3A_666 : vector<400x1xi1>
    %sub3A_667 = arith.constant 1 : i32
    %sub3A_668 = vector.broadcast %sub3A_667 : i32 to vector<400x1xi32>
    %sub3A_669 = arith.subi %div3A_646, %sub3A_668 : vector<400x1xi32>
    %select_n3A_670 = arith.select %and3A, %sub3A_669, %div3A_646 : vector<400x1xi1>, vector<400x1xi32>
    %le3A = vector.broadcast %select_n3A_670 : vector<400x1xi32> to vector<400x2000xi32>
    %le3A_671 = arith.cmpi sle, %iota3A, %le3A : vector<400x2000xi32>
    %and3A_672 = arith.andi %eq3A_637, %le3A_671 : vector<400x2000xi1>
    %jit3A_673 = arith.constant 1.000000e+00 : f32
    %jit3A_674 = arith.constant 0.000000e+00 : f32
    %broadcast_in_dim3A_675 = vector.broadcast %jit3A_673 : f32 to vector<400x2000xf32>
    %broadcast_in_dim3A_676 = vector.broadcast %jit3A_674 : f32 to vector<400x2000xf32>
    %select_n3A_677 = arith.select %and3A_672, %broadcast_in_dim3A_675, %broadcast_in_dim3A_676 : vector<400x2000xi1>, vector<400x2000xf32>
    %reduce_sum3A_678 = arith.constant dense<0.000000e+00> : vector<400xf32>
    %reduce_sum3A_679 = vector.multi_reduction <add>, %select_n3A_677, %reduce_sum3A_678 [1] : vector<400x2000xf32> to vector<400xf32>
    %broadcast_in_dim3A_680 = vector.shape_cast %reduce_sum3A_679 : vector<400xf32> to vector<400x1xf32>
    %ge3A_681 = arith.cmpf oge, %broadcast_in_dim3A_680, %sub3A_639 : vector<400x1xf32>
    %select_n3A_682 = arith.select %ge3A_681, %select_n3A_670, %broadcast_in_dim3A_643 : vector<400x1xi1>, vector<400x1xi32>
    %select_n3A_683 = arith.select %ge3A_681, %broadcast_in_dim3A_641, %select_n3A_670 : vector<400x1xi1>, vector<400x1xi32>
    %add3A_684 = arith.addi %select_n3A_683, %select_n3A_682 : vector<400x1xi32>
    %jit3A_685 = arith.constant 2 : i32
    %div3A_686 = vector.broadcast %jit3A_685 : i32 to vector<400x1xi32>
    %div3A_687 = arith.divsi %add3A_684, %div3A_686 : vector<400x1xi32>
    %sign3A_688 = arith.constant 0 : i32
    %sign3A_689 = vector.broadcast %sign3A_688 : i32 to vector<400x1xi32>
    %sign3A_690 = arith.cmpi sgt, %add3A_684, %sign3A_689 : vector<400x1xi32>
    %sign3A_691 = arith.extui %sign3A_690 : vector<400x1xi1> to vector<400x1xi32>
    %sign3A_692 = arith.constant 0 : i32
    %sign3A_693 = vector.broadcast %sign3A_692 : i32 to vector<400x1xi32>
    %sign3A_694 = arith.cmpi slt, %add3A_684, %sign3A_693 : vector<400x1xi32>
    %sign3A_695 = arith.extui %sign3A_694 : vector<400x1xi1> to vector<400x1xi32>
    %sign3A_696 = arith.subi %sign3A_691, %sign3A_695 : vector<400x1xi32>
    %sign3A_697 = arith.constant 0 : i32
    %sign3A_698 = arith.cmpi sgt, %jit3A_685, %sign3A_697 : i32
    %sign3A_699 = arith.extui %sign3A_698 : i1 to i32
    %sign3A_700 = arith.constant 0 : i32
    %sign3A_701 = arith.cmpi slt, %jit3A_685, %sign3A_700 : i32
    %sign3A_702 = arith.extui %sign3A_701 : i1 to i32
    %sign3A_703 = arith.subi %sign3A_699, %sign3A_702 : i32
    %ne3A_704 = vector.broadcast %sign3A_703 : i32 to vector<400x1xi32>
    %ne3A_705 = arith.cmpi ne, %sign3A_696, %ne3A_704 : vector<400x1xi32>
    %rem3A_706 = vector.broadcast %jit3A_685 : i32 to vector<400x1xi32>
    %rem3A_707 = arith.remsi %add3A_684, %rem3A_706 : vector<400x1xi32>
    %ne3A_708 = arith.constant 0 : i32
    %ne3A_709 = vector.broadcast %ne3A_708 : i32 to vector<400x1xi32>
    %ne3A_710 = arith.cmpi ne, %rem3A_707, %ne3A_709 : vector<400x1xi32>
    %and3A_711 = arith.andi %ne3A_705, %ne3A_710 : vector<400x1xi1>
    %sub3A_712 = arith.constant 1 : i32
    %sub3A_713 = vector.broadcast %sub3A_712 : i32 to vector<400x1xi32>
    %sub3A_714 = arith.subi %div3A_687, %sub3A_713 : vector<400x1xi32>
    %select_n3A_715 = arith.select %and3A_711, %sub3A_714, %div3A_687 : vector<400x1xi1>, vector<400x1xi32>
    %le3A_716 = vector.broadcast %select_n3A_715 : vector<400x1xi32> to vector<400x2000xi32>
    %le3A_717 = arith.cmpi sle, %iota3A, %le3A_716 : vector<400x2000xi32>
    %and3A_718 = arith.andi %eq3A_637, %le3A_717 : vector<400x2000xi1>
    %jit3A_719 = arith.constant 1.000000e+00 : f32
    %jit3A_720 = arith.constant 0.000000e+00 : f32
    %broadcast_in_dim3A_721 = vector.broadcast %jit3A_719 : f32 to vector<400x2000xf32>
    %broadcast_in_dim3A_722 = vector.broadcast %jit3A_720 : f32 to vector<400x2000xf32>
    %select_n3A_723 = arith.select %and3A_718, %broadcast_in_dim3A_721, %broadcast_in_dim3A_722 : vector<400x2000xi1>, vector<400x2000xf32>
    %reduce_sum3A_724 = arith.constant dense<0.000000e+00> : vector<400xf32>
    %reduce_sum3A_725 = vector.multi_reduction <add>, %select_n3A_723, %reduce_sum3A_724 [1] : vector<400x2000xf32> to vector<400xf32>
    %broadcast_in_dim3A_726 = vector.shape_cast %reduce_sum3A_725 : vector<400xf32> to vector<400x1xf32>
    %ge3A_727 = arith.cmpf oge, %broadcast_in_dim3A_726, %sub3A_639 : vector<400x1xf32>
    %select_n3A_728 = arith.select %ge3A_727, %select_n3A_715, %select_n3A_682 : vector<400x1xi1>, vector<400x1xi32>
    %select_n3A_729 = arith.select %ge3A_727, %select_n3A_683, %select_n3A_715 : vector<400x1xi1>, vector<400x1xi32>
    %add3A_730 = arith.addi %select_n3A_729, %select_n3A_728 : vector<400x1xi32>
    %jit3A_731 = arith.constant 2 : i32
    %div3A_732 = vector.broadcast %jit3A_731 : i32 to vector<400x1xi32>
    %div3A_733 = arith.divsi %add3A_730, %div3A_732 : vector<400x1xi32>
    %sign3A_734 = arith.constant 0 : i32
    %sign3A_735 = vector.broadcast %sign3A_734 : i32 to vector<400x1xi32>
    %sign3A_736 = arith.cmpi sgt, %add3A_730, %sign3A_735 : vector<400x1xi32>
    %sign3A_737 = arith.extui %sign3A_736 : vector<400x1xi1> to vector<400x1xi32>
    %sign3A_738 = arith.constant 0 : i32
    %sign3A_739 = vector.broadcast %sign3A_738 : i32 to vector<400x1xi32>
    %sign3A_740 = arith.cmpi slt, %add3A_730, %sign3A_739 : vector<400x1xi32>
    %sign3A_741 = arith.extui %sign3A_740 : vector<400x1xi1> to vector<400x1xi32>
    %sign3A_742 = arith.subi %sign3A_737, %sign3A_741 : vector<400x1xi32>
    %sign3A_743 = arith.constant 0 : i32
    %sign3A_744 = arith.cmpi sgt, %jit3A_731, %sign3A_743 : i32
    %sign3A_745 = arith.extui %sign3A_744 : i1 to i32
    %sign3A_746 = arith.constant 0 : i32
    %sign3A_747 = arith.cmpi slt, %jit3A_731, %sign3A_746 : i32
    %sign3A_748 = arith.extui %sign3A_747 : i1 to i32
    %sign3A_749 = arith.subi %sign3A_745, %sign3A_748 : i32
    %ne3A_750 = vector.broadcast %sign3A_749 : i32 to vector<400x1xi32>
    %ne3A_751 = arith.cmpi ne, %sign3A_742, %ne3A_750 : vector<400x1xi32>
    %rem3A_752 = vector.broadcast %jit3A_731 : i32 to vector<400x1xi32>
    %rem3A_753 = arith.remsi %add3A_730, %rem3A_752 : vector<400x1xi32>
    %ne3A_754 = arith.constant 0 : i32
    %ne3A_755 = vector.broadcast %ne3A_754 : i32 to vector<400x1xi32>
    %ne3A_756 = arith.cmpi ne, %rem3A_753, %ne3A_755 : vector<400x1xi32>
    %and3A_757 = arith.andi %ne3A_751, %ne3A_756 : vector<400x1xi1>
    %sub3A_758 = arith.constant 1 : i32
    %sub3A_759 = vector.broadcast %sub3A_758 : i32 to vector<400x1xi32>
    %sub3A_760 = arith.subi %div3A_733, %sub3A_759 : vector<400x1xi32>
    %select_n3A_761 = arith.select %and3A_757, %sub3A_760, %div3A_733 : vector<400x1xi1>, vector<400x1xi32>
    %le3A_762 = vector.broadcast %select_n3A_761 : vector<400x1xi32> to vector<400x2000xi32>
    %le3A_763 = arith.cmpi sle, %iota3A, %le3A_762 : vector<400x2000xi32>
    %and3A_764 = arith.andi %eq3A_637, %le3A_763 : vector<400x2000xi1>
    %jit3A_765 = arith.constant 1.000000e+00 : f32
    %jit3A_766 = arith.constant 0.000000e+00 : f32
    %broadcast_in_dim3A_767 = vector.broadcast %jit3A_765 : f32 to vector<400x2000xf32>
    %broadcast_in_dim3A_768 = vector.broadcast %jit3A_766 : f32 to vector<400x2000xf32>
    %select_n3A_769 = arith.select %and3A_764, %broadcast_in_dim3A_767, %broadcast_in_dim3A_768 : vector<400x2000xi1>, vector<400x2000xf32>
    %reduce_sum3A_770 = arith.constant dense<0.000000e+00> : vector<400xf32>
    %reduce_sum3A_771 = vector.multi_reduction <add>, %select_n3A_769, %reduce_sum3A_770 [1] : vector<400x2000xf32> to vector<400xf32>
    %broadcast_in_dim3A_772 = vector.shape_cast %reduce_sum3A_771 : vector<400xf32> to vector<400x1xf32>
    %ge3A_773 = arith.cmpf oge, %broadcast_in_dim3A_772, %sub3A_639 : vector<400x1xf32>
    %select_n3A_774 = arith.select %ge3A_773, %select_n3A_761, %select_n3A_728 : vector<400x1xi1>, vector<400x1xi32>
    %select_n3A_775 = arith.select %ge3A_773, %select_n3A_729, %select_n3A_761 : vector<400x1xi1>, vector<400x1xi32>
    %add3A_776 = arith.addi %select_n3A_775, %select_n3A_774 : vector<400x1xi32>
    %jit3A_777 = arith.constant 2 : i32
    %div3A_778 = vector.broadcast %jit3A_777 : i32 to vector<400x1xi32>
    %div3A_779 = arith.divsi %add3A_776, %div3A_778 : vector<400x1xi32>
    %sign3A_780 = arith.constant 0 : i32
    %sign3A_781 = vector.broadcast %sign3A_780 : i32 to vector<400x1xi32>
    %sign3A_782 = arith.cmpi sgt, %add3A_776, %sign3A_781 : vector<400x1xi32>
    %sign3A_783 = arith.extui %sign3A_782 : vector<400x1xi1> to vector<400x1xi32>
    %sign3A_784 = arith.constant 0 : i32
    %sign3A_785 = vector.broadcast %sign3A_784 : i32 to vector<400x1xi32>
    %sign3A_786 = arith.cmpi slt, %add3A_776, %sign3A_785 : vector<400x1xi32>
    %sign3A_787 = arith.extui %sign3A_786 : vector<400x1xi1> to vector<400x1xi32>
    %sign3A_788 = arith.subi %sign3A_783, %sign3A_787 : vector<400x1xi32>
    %sign3A_789 = arith.constant 0 : i32
    %sign3A_790 = arith.cmpi sgt, %jit3A_777, %sign3A_789 : i32
    %sign3A_791 = arith.extui %sign3A_790 : i1 to i32
    %sign3A_792 = arith.constant 0 : i32
    %sign3A_793 = arith.cmpi slt, %jit3A_777, %sign3A_792 : i32
    %sign3A_794 = arith.extui %sign3A_793 : i1 to i32
    %sign3A_795 = arith.subi %sign3A_791, %sign3A_794 : i32
    %ne3A_796 = vector.broadcast %sign3A_795 : i32 to vector<400x1xi32>
    %ne3A_797 = arith.cmpi ne, %sign3A_788, %ne3A_796 : vector<400x1xi32>
    %rem3A_798 = vector.broadcast %jit3A_777 : i32 to vector<400x1xi32>
    %rem3A_799 = arith.remsi %add3A_776, %rem3A_798 : vector<400x1xi32>
    %ne3A_800 = arith.constant 0 : i32
    %ne3A_801 = vector.broadcast %ne3A_800 : i32 to vector<400x1xi32>
    %ne3A_802 = arith.cmpi ne, %rem3A_799, %ne3A_801 : vector<400x1xi32>
    %and3A_803 = arith.andi %ne3A_797, %ne3A_802 : vector<400x1xi1>
    %sub3A_804 = arith.constant 1 : i32
    %sub3A_805 = vector.broadcast %sub3A_804 : i32 to vector<400x1xi32>
    %sub3A_806 = arith.subi %div3A_779, %sub3A_805 : vector<400x1xi32>
    %select_n3A_807 = arith.select %and3A_803, %sub3A_806, %div3A_779 : vector<400x1xi1>, vector<400x1xi32>
    %le3A_808 = vector.broadcast %select_n3A_807 : vector<400x1xi32> to vector<400x2000xi32>
    %le3A_809 = arith.cmpi sle, %iota3A, %le3A_808 : vector<400x2000xi32>
    %and3A_810 = arith.andi %eq3A_637, %le3A_809 : vector<400x2000xi1>
    %jit3A_811 = arith.constant 1.000000e+00 : f32
    %jit3A_812 = arith.constant 0.000000e+00 : f32
    %broadcast_in_dim3A_813 = vector.broadcast %jit3A_811 : f32 to vector<400x2000xf32>
    %broadcast_in_dim3A_814 = vector.broadcast %jit3A_812 : f32 to vector<400x2000xf32>
    %select_n3A_815 = arith.select %and3A_810, %broadcast_in_dim3A_813, %broadcast_in_dim3A_814 : vector<400x2000xi1>, vector<400x2000xf32>
    %reduce_sum3A_816 = arith.constant dense<0.000000e+00> : vector<400xf32>
    %reduce_sum3A_817 = vector.multi_reduction <add>, %select_n3A_815, %reduce_sum3A_816 [1] : vector<400x2000xf32> to vector<400xf32>
    %broadcast_in_dim3A_818 = vector.shape_cast %reduce_sum3A_817 : vector<400xf32> to vector<400x1xf32>
    %ge3A_819 = arith.cmpf oge, %broadcast_in_dim3A_818, %sub3A_639 : vector<400x1xf32>
    %select_n3A_820 = arith.select %ge3A_819, %select_n3A_807, %select_n3A_774 : vector<400x1xi1>, vector<400x1xi32>
    %select_n3A_821 = arith.select %ge3A_819, %select_n3A_775, %select_n3A_807 : vector<400x1xi1>, vector<400x1xi32>
    %add3A_822 = arith.addi %select_n3A_821, %select_n3A_820 : vector<400x1xi32>
    %jit3A_823 = arith.constant 2 : i32
    %div3A_824 = vector.broadcast %jit3A_823 : i32 to vector<400x1xi32>
    %div3A_825 = arith.divsi %add3A_822, %div3A_824 : vector<400x1xi32>
    %sign3A_826 = arith.constant 0 : i32
    %sign3A_827 = vector.broadcast %sign3A_826 : i32 to vector<400x1xi32>
    %sign3A_828 = arith.cmpi sgt, %add3A_822, %sign3A_827 : vector<400x1xi32>
    %sign3A_829 = arith.extui %sign3A_828 : vector<400x1xi1> to vector<400x1xi32>
    %sign3A_830 = arith.constant 0 : i32
    %sign3A_831 = vector.broadcast %sign3A_830 : i32 to vector<400x1xi32>
    %sign3A_832 = arith.cmpi slt, %add3A_822, %sign3A_831 : vector<400x1xi32>
    %sign3A_833 = arith.extui %sign3A_832 : vector<400x1xi1> to vector<400x1xi32>
    %sign3A_834 = arith.subi %sign3A_829, %sign3A_833 : vector<400x1xi32>
    %sign3A_835 = arith.constant 0 : i32
    %sign3A_836 = arith.cmpi sgt, %jit3A_823, %sign3A_835 : i32
    %sign3A_837 = arith.extui %sign3A_836 : i1 to i32
    %sign3A_838 = arith.constant 0 : i32
    %sign3A_839 = arith.cmpi slt, %jit3A_823, %sign3A_838 : i32
    %sign3A_840 = arith.extui %sign3A_839 : i1 to i32
    %sign3A_841 = arith.subi %sign3A_837, %sign3A_840 : i32
    %ne3A_842 = vector.broadcast %sign3A_841 : i32 to vector<400x1xi32>
    %ne3A_843 = arith.cmpi ne, %sign3A_834, %ne3A_842 : vector<400x1xi32>
    %rem3A_844 = vector.broadcast %jit3A_823 : i32 to vector<400x1xi32>
    %rem3A_845 = arith.remsi %add3A_822, %rem3A_844 : vector<400x1xi32>
    %ne3A_846 = arith.constant 0 : i32
    %ne3A_847 = vector.broadcast %ne3A_846 : i32 to vector<400x1xi32>
    %ne3A_848 = arith.cmpi ne, %rem3A_845, %ne3A_847 : vector<400x1xi32>
    %and3A_849 = arith.andi %ne3A_843, %ne3A_848 : vector<400x1xi1>
    %sub3A_850 = arith.constant 1 : i32
    %sub3A_851 = vector.broadcast %sub3A_850 : i32 to vector<400x1xi32>
    %sub3A_852 = arith.subi %div3A_825, %sub3A_851 : vector<400x1xi32>
    %select_n3A_853 = arith.select %and3A_849, %sub3A_852, %div3A_825 : vector<400x1xi1>, vector<400x1xi32>
    %le3A_854 = vector.broadcast %select_n3A_853 : vector<400x1xi32> to vector<400x2000xi32>
    %le3A_855 = arith.cmpi sle, %iota3A, %le3A_854 : vector<400x2000xi32>
    %and3A_856 = arith.andi %eq3A_637, %le3A_855 : vector<400x2000xi1>
    %jit3A_857 = arith.constant 1.000000e+00 : f32
    %jit3A_858 = arith.constant 0.000000e+00 : f32
    %broadcast_in_dim3A_859 = vector.broadcast %jit3A_857 : f32 to vector<400x2000xf32>
    %broadcast_in_dim3A_860 = vector.broadcast %jit3A_858 : f32 to vector<400x2000xf32>
    %select_n3A_861 = arith.select %and3A_856, %broadcast_in_dim3A_859, %broadcast_in_dim3A_860 : vector<400x2000xi1>, vector<400x2000xf32>
    %reduce_sum3A_862 = arith.constant dense<0.000000e+00> : vector<400xf32>
    %reduce_sum3A_863 = vector.multi_reduction <add>, %select_n3A_861, %reduce_sum3A_862 [1] : vector<400x2000xf32> to vector<400xf32>
    %broadcast_in_dim3A_864 = vector.shape_cast %reduce_sum3A_863 : vector<400xf32> to vector<400x1xf32>
    %ge3A_865 = arith.cmpf oge, %broadcast_in_dim3A_864, %sub3A_639 : vector<400x1xf32>
    %select_n3A_866 = arith.select %ge3A_865, %select_n3A_853, %select_n3A_820 : vector<400x1xi1>, vector<400x1xi32>
    %select_n3A_867 = arith.select %ge3A_865, %select_n3A_821, %select_n3A_853 : vector<400x1xi1>, vector<400x1xi32>
    %add3A_868 = arith.addi %select_n3A_867, %select_n3A_866 : vector<400x1xi32>
    %jit3A_869 = arith.constant 2 : i32
    %div3A_870 = vector.broadcast %jit3A_869 : i32 to vector<400x1xi32>
    %div3A_871 = arith.divsi %add3A_868, %div3A_870 : vector<400x1xi32>
    %sign3A_872 = arith.constant 0 : i32
    %sign3A_873 = vector.broadcast %sign3A_872 : i32 to vector<400x1xi32>
    %sign3A_874 = arith.cmpi sgt, %add3A_868, %sign3A_873 : vector<400x1xi32>
    %sign3A_875 = arith.extui %sign3A_874 : vector<400x1xi1> to vector<400x1xi32>
    %sign3A_876 = arith.constant 0 : i32
    %sign3A_877 = vector.broadcast %sign3A_876 : i32 to vector<400x1xi32>
    %sign3A_878 = arith.cmpi slt, %add3A_868, %sign3A_877 : vector<400x1xi32>
    %sign3A_879 = arith.extui %sign3A_878 : vector<400x1xi1> to vector<400x1xi32>
    %sign3A_880 = arith.subi %sign3A_875, %sign3A_879 : vector<400x1xi32>
    %sign3A_881 = arith.constant 0 : i32
    %sign3A_882 = arith.cmpi sgt, %jit3A_869, %sign3A_881 : i32
    %sign3A_883 = arith.extui %sign3A_882 : i1 to i32
    %sign3A_884 = arith.constant 0 : i32
    %sign3A_885 = arith.cmpi slt, %jit3A_869, %sign3A_884 : i32
    %sign3A_886 = arith.extui %sign3A_885 : i1 to i32
    %sign3A_887 = arith.subi %sign3A_883, %sign3A_886 : i32
    %ne3A_888 = vector.broadcast %sign3A_887 : i32 to vector<400x1xi32>
    %ne3A_889 = arith.cmpi ne, %sign3A_880, %ne3A_888 : vector<400x1xi32>
    %rem3A_890 = vector.broadcast %jit3A_869 : i32 to vector<400x1xi32>
    %rem3A_891 = arith.remsi %add3A_868, %rem3A_890 : vector<400x1xi32>
    %ne3A_892 = arith.constant 0 : i32
    %ne3A_893 = vector.broadcast %ne3A_892 : i32 to vector<400x1xi32>
    %ne3A_894 = arith.cmpi ne, %rem3A_891, %ne3A_893 : vector<400x1xi32>
    %and3A_895 = arith.andi %ne3A_889, %ne3A_894 : vector<400x1xi1>
    %sub3A_896 = arith.constant 1 : i32
    %sub3A_897 = vector.broadcast %sub3A_896 : i32 to vector<400x1xi32>
    %sub3A_898 = arith.subi %div3A_871, %sub3A_897 : vector<400x1xi32>
    %select_n3A_899 = arith.select %and3A_895, %sub3A_898, %div3A_871 : vector<400x1xi1>, vector<400x1xi32>
    %le3A_900 = vector.broadcast %select_n3A_899 : vector<400x1xi32> to vector<400x2000xi32>
    %le3A_901 = arith.cmpi sle, %iota3A, %le3A_900 : vector<400x2000xi32>
    %and3A_902 = arith.andi %eq3A_637, %le3A_901 : vector<400x2000xi1>
    %jit3A_903 = arith.constant 1.000000e+00 : f32
    %jit3A_904 = arith.constant 0.000000e+00 : f32
    %broadcast_in_dim3A_905 = vector.broadcast %jit3A_903 : f32 to vector<400x2000xf32>
    %broadcast_in_dim3A_906 = vector.broadcast %jit3A_904 : f32 to vector<400x2000xf32>
    %select_n3A_907 = arith.select %and3A_902, %broadcast_in_dim3A_905, %broadcast_in_dim3A_906 : vector<400x2000xi1>, vector<400x2000xf32>
    %reduce_sum3A_908 = arith.constant dense<0.000000e+00> : vector<400xf32>
    %reduce_sum3A_909 = vector.multi_reduction <add>, %select_n3A_907, %reduce_sum3A_908 [1] : vector<400x2000xf32> to vector<400xf32>
    %broadcast_in_dim3A_910 = vector.shape_cast %reduce_sum3A_909 : vector<400xf32> to vector<400x1xf32>
    %ge3A_911 = arith.cmpf oge, %broadcast_in_dim3A_910, %sub3A_639 : vector<400x1xf32>
    %select_n3A_912 = arith.select %ge3A_911, %select_n3A_899, %select_n3A_866 : vector<400x1xi1>, vector<400x1xi32>
    %select_n3A_913 = arith.select %ge3A_911, %select_n3A_867, %select_n3A_899 : vector<400x1xi1>, vector<400x1xi32>
    %add3A_914 = arith.addi %select_n3A_913, %select_n3A_912 : vector<400x1xi32>
    %jit3A_915 = arith.constant 2 : i32
    %div3A_916 = vector.broadcast %jit3A_915 : i32 to vector<400x1xi32>
    %div3A_917 = arith.divsi %add3A_914, %div3A_916 : vector<400x1xi32>
    %sign3A_918 = arith.constant 0 : i32
    %sign3A_919 = vector.broadcast %sign3A_918 : i32 to vector<400x1xi32>
    %sign3A_920 = arith.cmpi sgt, %add3A_914, %sign3A_919 : vector<400x1xi32>
    %sign3A_921 = arith.extui %sign3A_920 : vector<400x1xi1> to vector<400x1xi32>
    %sign3A_922 = arith.constant 0 : i32
    %sign3A_923 = vector.broadcast %sign3A_922 : i32 to vector<400x1xi32>
    %sign3A_924 = arith.cmpi slt, %add3A_914, %sign3A_923 : vector<400x1xi32>
    %sign3A_925 = arith.extui %sign3A_924 : vector<400x1xi1> to vector<400x1xi32>
    %sign3A_926 = arith.subi %sign3A_921, %sign3A_925 : vector<400x1xi32>
    %sign3A_927 = arith.constant 0 : i32
    %sign3A_928 = arith.cmpi sgt, %jit3A_915, %sign3A_927 : i32
    %sign3A_929 = arith.extui %sign3A_928 : i1 to i32
    %sign3A_930 = arith.constant 0 : i32
    %sign3A_931 = arith.cmpi slt, %jit3A_915, %sign3A_930 : i32
    %sign3A_932 = arith.extui %sign3A_931 : i1 to i32
    %sign3A_933 = arith.subi %sign3A_929, %sign3A_932 : i32
    %ne3A_934 = vector.broadcast %sign3A_933 : i32 to vector<400x1xi32>
    %ne3A_935 = arith.cmpi ne, %sign3A_926, %ne3A_934 : vector<400x1xi32>
    %rem3A_936 = vector.broadcast %jit3A_915 : i32 to vector<400x1xi32>
    %rem3A_937 = arith.remsi %add3A_914, %rem3A_936 : vector<400x1xi32>
    %ne3A_938 = arith.constant 0 : i32
    %ne3A_939 = vector.broadcast %ne3A_938 : i32 to vector<400x1xi32>
    %ne3A_940 = arith.cmpi ne, %rem3A_937, %ne3A_939 : vector<400x1xi32>
    %and3A_941 = arith.andi %ne3A_935, %ne3A_940 : vector<400x1xi1>
    %sub3A_942 = arith.constant 1 : i32
    %sub3A_943 = vector.broadcast %sub3A_942 : i32 to vector<400x1xi32>
    %sub3A_944 = arith.subi %div3A_917, %sub3A_943 : vector<400x1xi32>
    %select_n3A_945 = arith.select %and3A_941, %sub3A_944, %div3A_917 : vector<400x1xi1>, vector<400x1xi32>
    %le3A_946 = vector.broadcast %select_n3A_945 : vector<400x1xi32> to vector<400x2000xi32>
    %le3A_947 = arith.cmpi sle, %iota3A, %le3A_946 : vector<400x2000xi32>
    %and3A_948 = arith.andi %eq3A_637, %le3A_947 : vector<400x2000xi1>
    %jit3A_949 = arith.constant 1.000000e+00 : f32
    %jit3A_950 = arith.constant 0.000000e+00 : f32
    %broadcast_in_dim3A_951 = vector.broadcast %jit3A_949 : f32 to vector<400x2000xf32>
    %broadcast_in_dim3A_952 = vector.broadcast %jit3A_950 : f32 to vector<400x2000xf32>
    %select_n3A_953 = arith.select %and3A_948, %broadcast_in_dim3A_951, %broadcast_in_dim3A_952 : vector<400x2000xi1>, vector<400x2000xf32>
    %reduce_sum3A_954 = arith.constant dense<0.000000e+00> : vector<400xf32>
    %reduce_sum3A_955 = vector.multi_reduction <add>, %select_n3A_953, %reduce_sum3A_954 [1] : vector<400x2000xf32> to vector<400xf32>
    %broadcast_in_dim3A_956 = vector.shape_cast %reduce_sum3A_955 : vector<400xf32> to vector<400x1xf32>
    %ge3A_957 = arith.cmpf oge, %broadcast_in_dim3A_956, %sub3A_639 : vector<400x1xf32>
    %select_n3A_958 = arith.select %ge3A_957, %select_n3A_945, %select_n3A_912 : vector<400x1xi1>, vector<400x1xi32>
    %select_n3A_959 = arith.select %ge3A_957, %select_n3A_913, %select_n3A_945 : vector<400x1xi1>, vector<400x1xi32>
    %add3A_960 = arith.addi %select_n3A_959, %select_n3A_958 : vector<400x1xi32>
    %jit3A_961 = arith.constant 2 : i32
    %div3A_962 = vector.broadcast %jit3A_961 : i32 to vector<400x1xi32>
    %div3A_963 = arith.divsi %add3A_960, %div3A_962 : vector<400x1xi32>
    %sign3A_964 = arith.constant 0 : i32
    %sign3A_965 = vector.broadcast %sign3A_964 : i32 to vector<400x1xi32>
    %sign3A_966 = arith.cmpi sgt, %add3A_960, %sign3A_965 : vector<400x1xi32>
    %sign3A_967 = arith.extui %sign3A_966 : vector<400x1xi1> to vector<400x1xi32>
    %sign3A_968 = arith.constant 0 : i32
    %sign3A_969 = vector.broadcast %sign3A_968 : i32 to vector<400x1xi32>
    %sign3A_970 = arith.cmpi slt, %add3A_960, %sign3A_969 : vector<400x1xi32>
    %sign3A_971 = arith.extui %sign3A_970 : vector<400x1xi1> to vector<400x1xi32>
    %sign3A_972 = arith.subi %sign3A_967, %sign3A_971 : vector<400x1xi32>
    %sign3A_973 = arith.constant 0 : i32
    %sign3A_974 = arith.cmpi sgt, %jit3A_961, %sign3A_973 : i32
    %sign3A_975 = arith.extui %sign3A_974 : i1 to i32
    %sign3A_976 = arith.constant 0 : i32
    %sign3A_977 = arith.cmpi slt, %jit3A_961, %sign3A_976 : i32
    %sign3A_978 = arith.extui %sign3A_977 : i1 to i32
    %sign3A_979 = arith.subi %sign3A_975, %sign3A_978 : i32
    %ne3A_980 = vector.broadcast %sign3A_979 : i32 to vector<400x1xi32>
    %ne3A_981 = arith.cmpi ne, %sign3A_972, %ne3A_980 : vector<400x1xi32>
    %rem3A_982 = vector.broadcast %jit3A_961 : i32 to vector<400x1xi32>
    %rem3A_983 = arith.remsi %add3A_960, %rem3A_982 : vector<400x1xi32>
    %ne3A_984 = arith.constant 0 : i32
    %ne3A_985 = vector.broadcast %ne3A_984 : i32 to vector<400x1xi32>
    %ne3A_986 = arith.cmpi ne, %rem3A_983, %ne3A_985 : vector<400x1xi32>
    %and3A_987 = arith.andi %ne3A_981, %ne3A_986 : vector<400x1xi1>
    %sub3A_988 = arith.constant 1 : i32
    %sub3A_989 = vector.broadcast %sub3A_988 : i32 to vector<400x1xi32>
    %sub3A_990 = arith.subi %div3A_963, %sub3A_989 : vector<400x1xi32>
    %select_n3A_991 = arith.select %and3A_987, %sub3A_990, %div3A_963 : vector<400x1xi1>, vector<400x1xi32>
    %le3A_992 = vector.broadcast %select_n3A_991 : vector<400x1xi32> to vector<400x2000xi32>
    %le3A_993 = arith.cmpi sle, %iota3A, %le3A_992 : vector<400x2000xi32>
    %and3A_994 = arith.andi %eq3A_637, %le3A_993 : vector<400x2000xi1>
    %jit3A_995 = arith.constant 1.000000e+00 : f32
    %jit3A_996 = arith.constant 0.000000e+00 : f32
    %broadcast_in_dim3A_997 = vector.broadcast %jit3A_995 : f32 to vector<400x2000xf32>
    %broadcast_in_dim3A_998 = vector.broadcast %jit3A_996 : f32 to vector<400x2000xf32>
    %select_n3A_999 = arith.select %and3A_994, %broadcast_in_dim3A_997, %broadcast_in_dim3A_998 : vector<400x2000xi1>, vector<400x2000xf32>
    %reduce_sum3A_1000 = arith.constant dense<0.000000e+00> : vector<400xf32>
    %reduce_sum3A_1001 = vector.multi_reduction <add>, %select_n3A_999, %reduce_sum3A_1000 [1] : vector<400x2000xf32> to vector<400xf32>
    %broadcast_in_dim3A_1002 = vector.shape_cast %reduce_sum3A_1001 : vector<400xf32> to vector<400x1xf32>
    %ge3A_1003 = arith.cmpf oge, %broadcast_in_dim3A_1002, %sub3A_639 : vector<400x1xf32>
    %select_n3A_1004 = arith.select %ge3A_1003, %select_n3A_991, %select_n3A_958 : vector<400x1xi1>, vector<400x1xi32>
    %select_n3A_1005 = arith.select %ge3A_1003, %select_n3A_959, %select_n3A_991 : vector<400x1xi1>, vector<400x1xi32>
    %add3A_1006 = arith.addi %select_n3A_1005, %select_n3A_1004 : vector<400x1xi32>
    %jit3A_1007 = arith.constant 2 : i32
    %div3A_1008 = vector.broadcast %jit3A_1007 : i32 to vector<400x1xi32>
    %div3A_1009 = arith.divsi %add3A_1006, %div3A_1008 : vector<400x1xi32>
    %sign3A_1010 = arith.constant 0 : i32
    %sign3A_1011 = vector.broadcast %sign3A_1010 : i32 to vector<400x1xi32>
    %sign3A_1012 = arith.cmpi sgt, %add3A_1006, %sign3A_1011 : vector<400x1xi32>
    %sign3A_1013 = arith.extui %sign3A_1012 : vector<400x1xi1> to vector<400x1xi32>
    %sign3A_1014 = arith.constant 0 : i32
    %sign3A_1015 = vector.broadcast %sign3A_1014 : i32 to vector<400x1xi32>
    %sign3A_1016 = arith.cmpi slt, %add3A_1006, %sign3A_1015 : vector<400x1xi32>
    %sign3A_1017 = arith.extui %sign3A_1016 : vector<400x1xi1> to vector<400x1xi32>
    %sign3A_1018 = arith.subi %sign3A_1013, %sign3A_1017 : vector<400x1xi32>
    %sign3A_1019 = arith.constant 0 : i32
    %sign3A_1020 = arith.cmpi sgt, %jit3A_1007, %sign3A_1019 : i32
    %sign3A_1021 = arith.extui %sign3A_1020 : i1 to i32
    %sign3A_1022 = arith.constant 0 : i32
    %sign3A_1023 = arith.cmpi slt, %jit3A_1007, %sign3A_1022 : i32
    %sign3A_1024 = arith.extui %sign3A_1023 : i1 to i32
    %sign3A_1025 = arith.subi %sign3A_1021, %sign3A_1024 : i32
    %ne3A_1026 = vector.broadcast %sign3A_1025 : i32 to vector<400x1xi32>
    %ne3A_1027 = arith.cmpi ne, %sign3A_1018, %ne3A_1026 : vector<400x1xi32>
    %rem3A_1028 = vector.broadcast %jit3A_1007 : i32 to vector<400x1xi32>
    %rem3A_1029 = arith.remsi %add3A_1006, %rem3A_1028 : vector<400x1xi32>
    %ne3A_1030 = arith.constant 0 : i32
    %ne3A_1031 = vector.broadcast %ne3A_1030 : i32 to vector<400x1xi32>
    %ne3A_1032 = arith.cmpi ne, %rem3A_1029, %ne3A_1031 : vector<400x1xi32>
    %and3A_1033 = arith.andi %ne3A_1027, %ne3A_1032 : vector<400x1xi1>
    %sub3A_1034 = arith.constant 1 : i32
    %sub3A_1035 = vector.broadcast %sub3A_1034 : i32 to vector<400x1xi32>
    %sub3A_1036 = arith.subi %div3A_1009, %sub3A_1035 : vector<400x1xi32>
    %select_n3A_1037 = arith.select %and3A_1033, %sub3A_1036, %div3A_1009 : vector<400x1xi1>, vector<400x1xi32>
    %le3A_1038 = vector.broadcast %select_n3A_1037 : vector<400x1xi32> to vector<400x2000xi32>
    %le3A_1039 = arith.cmpi sle, %iota3A, %le3A_1038 : vector<400x2000xi32>
    %and3A_1040 = arith.andi %eq3A_637, %le3A_1039 : vector<400x2000xi1>
    %jit3A_1041 = arith.constant 1.000000e+00 : f32
    %jit3A_1042 = arith.constant 0.000000e+00 : f32
    %broadcast_in_dim3A_1043 = vector.broadcast %jit3A_1041 : f32 to vector<400x2000xf32>
    %broadcast_in_dim3A_1044 = vector.broadcast %jit3A_1042 : f32 to vector<400x2000xf32>
    %select_n3A_1045 = arith.select %and3A_1040, %broadcast_in_dim3A_1043, %broadcast_in_dim3A_1044 : vector<400x2000xi1>, vector<400x2000xf32>
    %reduce_sum3A_1046 = arith.constant dense<0.000000e+00> : vector<400xf32>
    %reduce_sum3A_1047 = vector.multi_reduction <add>, %select_n3A_1045, %reduce_sum3A_1046 [1] : vector<400x2000xf32> to vector<400xf32>
    %broadcast_in_dim3A_1048 = vector.shape_cast %reduce_sum3A_1047 : vector<400xf32> to vector<400x1xf32>
    %ge3A_1049 = arith.cmpf oge, %broadcast_in_dim3A_1048, %sub3A_639 : vector<400x1xf32>
    %select_n3A_1050 = arith.select %ge3A_1049, %select_n3A_1037, %select_n3A_1004 : vector<400x1xi1>, vector<400x1xi32>
    %select_n3A_1051 = arith.select %ge3A_1049, %select_n3A_1005, %select_n3A_1037 : vector<400x1xi1>, vector<400x1xi32>
    %add3A_1052 = arith.addi %select_n3A_1051, %select_n3A_1050 : vector<400x1xi32>
    %jit3A_1053 = arith.constant 2 : i32
    %div3A_1054 = vector.broadcast %jit3A_1053 : i32 to vector<400x1xi32>
    %div3A_1055 = arith.divsi %add3A_1052, %div3A_1054 : vector<400x1xi32>
    %sign3A_1056 = arith.constant 0 : i32
    %sign3A_1057 = vector.broadcast %sign3A_1056 : i32 to vector<400x1xi32>
    %sign3A_1058 = arith.cmpi sgt, %add3A_1052, %sign3A_1057 : vector<400x1xi32>
    %sign3A_1059 = arith.extui %sign3A_1058 : vector<400x1xi1> to vector<400x1xi32>
    %sign3A_1060 = arith.constant 0 : i32
    %sign3A_1061 = vector.broadcast %sign3A_1060 : i32 to vector<400x1xi32>
    %sign3A_1062 = arith.cmpi slt, %add3A_1052, %sign3A_1061 : vector<400x1xi32>
    %sign3A_1063 = arith.extui %sign3A_1062 : vector<400x1xi1> to vector<400x1xi32>
    %sign3A_1064 = arith.subi %sign3A_1059, %sign3A_1063 : vector<400x1xi32>
    %sign3A_1065 = arith.constant 0 : i32
    %sign3A_1066 = arith.cmpi sgt, %jit3A_1053, %sign3A_1065 : i32
    %sign3A_1067 = arith.extui %sign3A_1066 : i1 to i32
    %sign3A_1068 = arith.constant 0 : i32
    %sign3A_1069 = arith.cmpi slt, %jit3A_1053, %sign3A_1068 : i32
    %sign3A_1070 = arith.extui %sign3A_1069 : i1 to i32
    %sign3A_1071 = arith.subi %sign3A_1067, %sign3A_1070 : i32
    %ne3A_1072 = vector.broadcast %sign3A_1071 : i32 to vector<400x1xi32>
    %ne3A_1073 = arith.cmpi ne, %sign3A_1064, %ne3A_1072 : vector<400x1xi32>
    %rem3A_1074 = vector.broadcast %jit3A_1053 : i32 to vector<400x1xi32>
    %rem3A_1075 = arith.remsi %add3A_1052, %rem3A_1074 : vector<400x1xi32>
    %ne3A_1076 = arith.constant 0 : i32
    %ne3A_1077 = vector.broadcast %ne3A_1076 : i32 to vector<400x1xi32>
    %ne3A_1078 = arith.cmpi ne, %rem3A_1075, %ne3A_1077 : vector<400x1xi32>
    %and3A_1079 = arith.andi %ne3A_1073, %ne3A_1078 : vector<400x1xi1>
    %sub3A_1080 = arith.constant 1 : i32
    %sub3A_1081 = vector.broadcast %sub3A_1080 : i32 to vector<400x1xi32>
    %sub3A_1082 = arith.subi %div3A_1055, %sub3A_1081 : vector<400x1xi32>
    %select_n3A_1083 = arith.select %and3A_1079, %sub3A_1082, %div3A_1055 : vector<400x1xi1>, vector<400x1xi32>
    %le3A_1084 = vector.broadcast %select_n3A_1083 : vector<400x1xi32> to vector<400x2000xi32>
    %le3A_1085 = arith.cmpi sle, %iota3A, %le3A_1084 : vector<400x2000xi32>
    %and3A_1086 = arith.andi %eq3A_637, %le3A_1085 : vector<400x2000xi1>
    %jit3A_1087 = arith.constant 1.000000e+00 : f32
    %jit3A_1088 = arith.constant 0.000000e+00 : f32
    %broadcast_in_dim3A_1089 = vector.broadcast %jit3A_1087 : f32 to vector<400x2000xf32>
    %broadcast_in_dim3A_1090 = vector.broadcast %jit3A_1088 : f32 to vector<400x2000xf32>
    %select_n3A_1091 = arith.select %and3A_1086, %broadcast_in_dim3A_1089, %broadcast_in_dim3A_1090 : vector<400x2000xi1>, vector<400x2000xf32>
    %reduce_sum3A_1092 = arith.constant dense<0.000000e+00> : vector<400xf32>
    %reduce_sum3A_1093 = vector.multi_reduction <add>, %select_n3A_1091, %reduce_sum3A_1092 [1] : vector<400x2000xf32> to vector<400xf32>
    %broadcast_in_dim3A_1094 = vector.shape_cast %reduce_sum3A_1093 : vector<400xf32> to vector<400x1xf32>
    %ge3A_1095 = arith.cmpf oge, %broadcast_in_dim3A_1094, %sub3A_639 : vector<400x1xf32>
    %select_n3A_1096 = arith.select %ge3A_1095, %select_n3A_1083, %select_n3A_1050 : vector<400x1xi1>, vector<400x1xi32>
    %select_n3A_1097 = arith.select %ge3A_1095, %select_n3A_1051, %select_n3A_1083 : vector<400x1xi1>, vector<400x1xi32>
    %add3A_1098 = arith.addi %select_n3A_1097, %select_n3A_1096 : vector<400x1xi32>
    %jit3A_1099 = arith.constant 2 : i32
    %div3A_1100 = vector.broadcast %jit3A_1099 : i32 to vector<400x1xi32>
    %div3A_1101 = arith.divsi %add3A_1098, %div3A_1100 : vector<400x1xi32>
    %sign3A_1102 = arith.constant 0 : i32
    %sign3A_1103 = vector.broadcast %sign3A_1102 : i32 to vector<400x1xi32>
    %sign3A_1104 = arith.cmpi sgt, %add3A_1098, %sign3A_1103 : vector<400x1xi32>
    %sign3A_1105 = arith.extui %sign3A_1104 : vector<400x1xi1> to vector<400x1xi32>
    %sign3A_1106 = arith.constant 0 : i32
    %sign3A_1107 = vector.broadcast %sign3A_1106 : i32 to vector<400x1xi32>
    %sign3A_1108 = arith.cmpi slt, %add3A_1098, %sign3A_1107 : vector<400x1xi32>
    %sign3A_1109 = arith.extui %sign3A_1108 : vector<400x1xi1> to vector<400x1xi32>
    %sign3A_1110 = arith.subi %sign3A_1105, %sign3A_1109 : vector<400x1xi32>
    %sign3A_1111 = arith.constant 0 : i32
    %sign3A_1112 = arith.cmpi sgt, %jit3A_1099, %sign3A_1111 : i32
    %sign3A_1113 = arith.extui %sign3A_1112 : i1 to i32
    %sign3A_1114 = arith.constant 0 : i32
    %sign3A_1115 = arith.cmpi slt, %jit3A_1099, %sign3A_1114 : i32
    %sign3A_1116 = arith.extui %sign3A_1115 : i1 to i32
    %sign3A_1117 = arith.subi %sign3A_1113, %sign3A_1116 : i32
    %ne3A_1118 = vector.broadcast %sign3A_1117 : i32 to vector<400x1xi32>
    %ne3A_1119 = arith.cmpi ne, %sign3A_1110, %ne3A_1118 : vector<400x1xi32>
    %rem3A_1120 = vector.broadcast %jit3A_1099 : i32 to vector<400x1xi32>
    %rem3A_1121 = arith.remsi %add3A_1098, %rem3A_1120 : vector<400x1xi32>
    %ne3A_1122 = arith.constant 0 : i32
    %ne3A_1123 = vector.broadcast %ne3A_1122 : i32 to vector<400x1xi32>
    %ne3A_1124 = arith.cmpi ne, %rem3A_1121, %ne3A_1123 : vector<400x1xi32>
    %and3A_1125 = arith.andi %ne3A_1119, %ne3A_1124 : vector<400x1xi1>
    %sub3A_1126 = arith.constant 1 : i32
    %sub3A_1127 = vector.broadcast %sub3A_1126 : i32 to vector<400x1xi32>
    %sub3A_1128 = arith.subi %div3A_1101, %sub3A_1127 : vector<400x1xi32>
    %select_n3A_1129 = arith.select %and3A_1125, %sub3A_1128, %div3A_1101 : vector<400x1xi1>, vector<400x1xi32>
    %le3A_1130 = vector.broadcast %select_n3A_1129 : vector<400x1xi32> to vector<400x2000xi32>
    %le3A_1131 = arith.cmpi sle, %iota3A, %le3A_1130 : vector<400x2000xi32>
    %and3A_1132 = arith.andi %eq3A_637, %le3A_1131 : vector<400x2000xi1>
    %jit3A_1133 = arith.constant 1.000000e+00 : f32
    %jit3A_1134 = arith.constant 0.000000e+00 : f32
    %broadcast_in_dim3A_1135 = vector.broadcast %jit3A_1133 : f32 to vector<400x2000xf32>
    %broadcast_in_dim3A_1136 = vector.broadcast %jit3A_1134 : f32 to vector<400x2000xf32>
    %select_n3A_1137 = arith.select %and3A_1132, %broadcast_in_dim3A_1135, %broadcast_in_dim3A_1136 : vector<400x2000xi1>, vector<400x2000xf32>
    %reduce_sum3A_1138 = arith.constant dense<0.000000e+00> : vector<400xf32>
    %reduce_sum3A_1139 = vector.multi_reduction <add>, %select_n3A_1137, %reduce_sum3A_1138 [1] : vector<400x2000xf32> to vector<400xf32>
    %broadcast_in_dim3A_1140 = vector.shape_cast %reduce_sum3A_1139 : vector<400xf32> to vector<400x1xf32>
    %ge3A_1141 = arith.cmpf oge, %broadcast_in_dim3A_1140, %sub3A_639 : vector<400x1xf32>
    %select_n3A_1142 = arith.select %ge3A_1141, %select_n3A_1129, %select_n3A_1096 : vector<400x1xi1>, vector<400x1xi32>
    %le3A_1143 = vector.broadcast %select_n3A_1142 : vector<400x1xi32> to vector<400x2000xi32>
    %le3A_1144 = arith.cmpi sle, %iota3A, %le3A_1143 : vector<400x2000xi32>
    %and3A_1145 = arith.andi %eq3A_637, %le3A_1144 : vector<400x2000xi1>
    %or3A = arith.ori %gt3A_628, %and3A_1145 : vector<400x2000xi1>
    %jit3A_1146 = arith.constant 0.000000e+00 : f32
    %broadcast_in_dim3A_1147 = vector.broadcast %jit3A_1146 : f32 to vector<400x2000xf32>
    %select_n3A_1148 = arith.select %or3A, %get3A_1, %broadcast_in_dim3A_1147 : vector<400x2000xi1>, vector<400x2000xf32>
    %swap3A = arith.constant 0 : index
    %swap3A_1149 = arith.constant 0 : index
    %swap3A_1150 = vector.load %arg3[%swap3A, %swap3A_1149] : memref<400x2000xf32, #tpu.memory_space<vmem>>, vector<400x2000xf32>
    tpu.vector_store %arg3[%swap3A, %swap3A_1149], %select_n3A_1148 {strides = array<i32>} : memref<400x2000xf32, #tpu.memory_space<vmem>>, vector<400x2000xf32>,
    %reduce_sum3A_1151 = arith.constant dense<0.000000e+00> : vector<400xf32>
    %reduce_sum3A_1152 = vector.multi_reduction <add>, %select_n3A_1148, %reduce_sum3A_1151 [1] : vector<400x2000xf32> to vector<400xf32>
    %broadcast_in_dim3A_1153 = vector.shape_cast %reduce_sum3A_1152 : vector<400xf32> to vector<400x1xf32>
    %add3A_1154 = arith.constant 1.000000e+00 : f32
    %add3A_1155 = vector.broadcast %add3A_1154 : f32 to vector<400x1xf32>
    %add3A_1156 = arith.addf %broadcast_in_dim3A_1153, %add3A_1155 : vector<400x1xf32>
    %swap3A_1157 = arith.constant 0 : index
    %swap3A_1158 = arith.constant 0 : index
    %swap3A_1159 = vector.load %arg4[%swap3A_1157, %swap3A_1158] : memref<400x1xf32, #tpu.memory_space<vmem>>, vector<400x1xf32>
    tpu.vector_store %arg4[%swap3A_1157, %swap3A_1158], %add3A_1156 {strides = array<i32>} : memref<400x1xf32, #tpu.memory_space<vmem>>, vector<400x1xf32>,
    return
  }
  func.func @transform_0(%arg0: i32) -> (i32, i32) {
    %c0_i32 = arith.constant 0 : i32
    %c0_i32_0 = arith.constant 0 : i32
    return %arg0, %c0_i32 : i32, i32
  }
  func.func @transform_1(%arg0: i32) -> (i32, i32) {
    %c0_i32 = arith.constant 0 : i32
    %c0_i32_0 = arith.constant 0 : i32
    return %arg0, %c0_i32 : i32, i32
  }
  func.func @transform_2(%arg0: i32) -> (i32, i32) {
    %c0_i32 = arith.constant 0 : i32
    %c0_i32_0 = arith.constant 0 : i32
    return %arg0, %c0_i32 : i32, i32
  }
  func.func @transform_3(%arg0: i32) -> (i32, i32) {
    %c0_i32 = arith.constant 0 : i32
    %c0_i32_0 = arith.constant 0 : i32
    return %arg0, %c0_i32 : i32, i32
  }
}

module attributes {stable_mosaic.version = 14 : i64} {
  func.func @_scale_body(%arg0: i32, %arg1: memref<400x2000xf32, #tpu.memory_space<vmem>>, %arg2: memref<400x1xf32, #tpu.memory_space<vmem>>, %arg3: memref<1x2000xf32, #tpu.memory_space<vmem>>, %arg4: memref<400x2000xbf16, #tpu.memory_space<vmem>>) attributes {dimension_semantics = [#tpu.dimension_semantics<arbitrary>], iteration_bounds = array<i64: 5>, scalar_prefetch = 0 : i64, scratch_operands = 0 : i64, tpu.core_type = #tpu.core_type<tc>, window_params = [{transform_indices = @transform_0, window_bounds = array<i64: 400, 2000>}, {transform_indices = @transform_1, window_bounds = array<i64: 400, 1>}, {pipeline_mode = #tpu.pipeline_mode<synchronous>, transform_indices = @transform_2, window_bounds = array<i64: 1, 2000>}, {transform_indices = @transform_3, window_bounds = array<i64: 400, 2000>}]} {
    %mul3A = arith.constant 400 : i32
    %mul3A_0 = arith.muli %arg0, %mul3A : i32
    %get3A = arith.constant 0 : index
    %get3A_1 = arith.constant 0 : index
    %get3A_2 = vector.load %arg1[%get3A, %get3A_1] : memref<400x2000xf32, #tpu.memory_space<vmem>>, vector<400x2000xf32>
    %iota3A = tpu.iota {dimensions = array<i32: 0>} : vector<400x2000xi32>
    %add3A = vector.broadcast %mul3A_0 : i32 to vector<400x2000xi32>
    %add3A_3 = arith.addi %iota3A, %add3A : vector<400x2000xi32>
    %iota3A_4 = tpu.iota {dimensions = array<i32: 1>} : vector<400x2000xi32>
    %eq3A = arith.cmpi eq, %add3A_3, %iota3A_4 : vector<400x2000xi32>
    %jit3A = arith.constant 1.000000e+00 : f32
    %jit3A_5 = arith.constant 0.000000e+00 : f32
    %broadcast_in_dim3A = vector.broadcast %jit3A : f32 to vector<400x2000xf32>
    %broadcast_in_dim3A_6 = vector.broadcast %jit3A_5 : f32 to vector<400x2000xf32>
    %select_n3A = arith.select %eq3A, %broadcast_in_dim3A, %broadcast_in_dim3A_6 : vector<400x2000xi1>, vector<400x2000xf32>
    %add3A_7 = arith.addf %get3A_2, %select_n3A : vector<400x2000xf32>
    %get3A_8 = arith.constant 0 : index
    %get3A_9 = arith.constant 0 : index
    %get3A_10 = vector.load %arg2[%get3A_8, %get3A_9] : memref<400x1xf32, #tpu.memory_space<vmem>>, vector<400x1xf32>
    %mul3A_11 = vector.broadcast %get3A_10 : vector<400x1xf32> to vector<400x2000xf32>
    %mul3A_12 = arith.mulf %mul3A_11, %add3A_7 : vector<400x2000xf32>
    %get3A_13 = arith.constant 0 : index
    %get3A_14 = arith.constant 0 : index
    %get3A_15 = vector.load %arg3[%get3A_13, %get3A_14] : memref<1x2000xf32, #tpu.memory_space<vmem>>, vector<1x2000xf32>
    %mul3A_16 = vector.broadcast %get3A_15 : vector<1x2000xf32> to vector<400x2000xf32>
    %mul3A_17 = arith.mulf %mul3A_12, %mul3A_16 : vector<400x2000xf32>
    %convert_element_type3A = arith.truncf %mul3A_17 : vector<400x2000xf32> to vector<400x2000xbf16>
    %swap3A = arith.constant 0 : index
    %swap3A_18 = arith.constant 0 : index
    %swap3A_19 = vector.load %arg4[%swap3A, %swap3A_18] : memref<400x2000xbf16, #tpu.memory_space<vmem>>, vector<400x2000xbf16>
    tpu.vector_store %arg4[%swap3A, %swap3A_18], %convert_element_type3A {strides = array<i32>} : memref<400x2000xbf16, #tpu.memory_space<vmem>>, vector<400x2000xbf16>,
    return
  }
  func.func @transform_0(%arg0: i32) -> (i32, i32) {
    %c0_i32 = arith.constant 0 : i32
    %c0_i32_0 = arith.constant 0 : i32
    return %arg0, %c0_i32 : i32, i32
  }
  func.func @transform_1(%arg0: i32) -> (i32, i32) {
    %c0_i32 = arith.constant 0 : i32
    %c0_i32_0 = arith.constant 0 : i32
    return %arg0, %c0_i32 : i32, i32
  }
  func.func @transform_2(%arg0: i32) -> (i32, i32) {
    %c0_i32 = arith.constant 0 : i32
    %c0_i32_0 = arith.constant 0 : i32
    %c0_i32_1 = arith.constant 0 : i32
    return %c0_i32, %c0_i32_0 : i32, i32
  }
  func.func @transform_3(%arg0: i32) -> (i32, i32) {
    %c0_i32 = arith.constant 0 : i32
    %c0_i32_0 = arith.constant 0 : i32
    return %arg0, %c0_i32 : i32, i32
  }
}

module attributes {stable_mosaic.version = 14 : i64} {
  func.func @_prop_body(%arg0: i32, %arg1: memref<4x256x2000xf32, #tpu.memory_space<vmem>>, %arg2: memref<2000x2000xbf16, #tpu.memory_space<vmem>>, %arg3: memref<128x256xf32, #tpu.memory_space<vmem>>, %arg4: memref<128x1xf32, #tpu.memory_space<vmem>>, %arg5: memref<32x128xf32, #tpu.memory_space<vmem>>, %arg6: memref<32x1xf32, #tpu.memory_space<vmem>>, %arg7: memref<4x32x2000xf32, #tpu.memory_space<vmem>>) attributes {dimension_semantics = [#tpu.dimension_semantics<arbitrary>], iteration_bounds = array<i64: 16>, scalar_prefetch = 0 : i64, scratch_operands = 0 : i64, tpu.core_type = #tpu.core_type<tc>, window_params = [{transform_indices = @transform_0, window_bounds = array<i64: 4, 256, 2000>}, {pipeline_mode = #tpu.pipeline_mode<synchronous>, transform_indices = @transform_1, window_bounds = array<i64: 2000, 2000>}, {pipeline_mode = #tpu.pipeline_mode<synchronous>, transform_indices = @transform_2, window_bounds = array<i64: 128, 256>}, {pipeline_mode = #tpu.pipeline_mode<synchronous>, transform_indices = @transform_3, window_bounds = array<i64: 128, 1>}, {pipeline_mode = #tpu.pipeline_mode<synchronous>, transform_indices = @transform_4, window_bounds = array<i64: 32, 128>}, {pipeline_mode = #tpu.pipeline_mode<synchronous>, transform_indices = @transform_5, window_bounds = array<i64: 32, 1>}, {transform_indices = @transform_6, window_bounds = array<i64: 4, 32, 2000>}]} {
    %get3A = arith.constant 0 : index
    %get3A_0 = arith.constant 0 : index
    %get3A_1 = vector.load %arg2[%get3A, %get3A_0] : memref<2000x2000xbf16, #tpu.memory_space<vmem>>, vector<2000x2000xbf16>
    %get3A_2 = arith.constant 0 : index
    %get3A_3 = arith.constant 0 : index
    %get3A_4 = arith.constant 0 : index
    %get3A_5 = vector.load %arg1[%get3A_2, %get3A_3, %get3A_4] : memref<4x256x2000xf32, #tpu.memory_space<vmem>>, vector<1x256x2000xf32>
    %get3A_6 = vector.shape_cast %get3A_5 : vector<1x256x2000xf32> to vector<256x2000xf32>
    %get3A_7 = arith.constant 0 : index
    %get3A_8 = arith.constant 0 : index
    %get3A_9 = vector.load %arg3[%get3A_7, %get3A_8] : memref<128x256xf32, #tpu.memory_space<vmem>>, vector<128x256xf32>
    %dot_general3A = arith.constant dense<0.000000e+00> : vector<128x2000xf32>
    %dot_general3A_10 = tpu.matmul %get3A_9, %get3A_6, %dot_general3A {dimension_numbers = #tpu.dot_dimension_numbers<[1], [0], [0], [1], [0, 0, 1, 1], [], []>, transpose_lhs_hint = false} : vector<128x256xf32>, vector<256x2000xf32>, vector<128x2000xf32> -> vector<128x2000xf32>
    %get3A_11 = arith.constant 0 : index
    %get3A_12 = arith.constant 0 : index
    %get3A_13 = vector.load %arg4[%get3A_11, %get3A_12] : memref<128x1xf32, #tpu.memory_space<vmem>>, vector<128x1xf32>
    %add3A = vector.broadcast %get3A_13 : vector<128x1xf32> to vector<128x2000xf32>
    %add3A_14 = arith.addf %dot_general3A_10, %add3A : vector<128x2000xf32>
    %get3A_15 = arith.constant 1 : index
    %get3A_16 = arith.constant 0 : index
    %get3A_17 = arith.constant 0 : index
    %get3A_18 = vector.load %arg1[%get3A_15, %get3A_16, %get3A_17] : memref<4x256x2000xf32, #tpu.memory_space<vmem>>, vector<1x256x2000xf32>
    %get3A_19 = vector.shape_cast %get3A_18 : vector<1x256x2000xf32> to vector<256x2000xf32>
    %get3A_20 = arith.constant 0 : index
    %get3A_21 = arith.constant 0 : index
    %get3A_22 = vector.load %arg3[%get3A_20, %get3A_21] : memref<128x256xf32, #tpu.memory_space<vmem>>, vector<128x256xf32>
    %dot_general3A_23 = arith.constant dense<0.000000e+00> : vector<128x2000xf32>
    %dot_general3A_24 = tpu.matmul %get3A_22, %get3A_19, %dot_general3A_23 {dimension_numbers = #tpu.dot_dimension_numbers<[1], [0], [0], [1], [0, 0, 1, 1], [], []>, transpose_lhs_hint = false} : vector<128x256xf32>, vector<256x2000xf32>, vector<128x2000xf32> -> vector<128x2000xf32>
    %get3A_25 = arith.constant 0 : index
    %get3A_26 = arith.constant 0 : index
    %get3A_27 = vector.load %arg4[%get3A_25, %get3A_26] : memref<128x1xf32, #tpu.memory_space<vmem>>, vector<128x1xf32>
    %add3A_28 = vector.broadcast %get3A_27 : vector<128x1xf32> to vector<128x2000xf32>
    %add3A_29 = arith.addf %dot_general3A_24, %add3A_28 : vector<128x2000xf32>
    %get3A_30 = arith.constant 2 : index
    %get3A_31 = arith.constant 0 : index
    %get3A_32 = arith.constant 0 : index
    %get3A_33 = vector.load %arg1[%get3A_30, %get3A_31, %get3A_32] : memref<4x256x2000xf32, #tpu.memory_space<vmem>>, vector<1x256x2000xf32>
    %get3A_34 = vector.shape_cast %get3A_33 : vector<1x256x2000xf32> to vector<256x2000xf32>
    %get3A_35 = arith.constant 0 : index
    %get3A_36 = arith.constant 0 : index
    %get3A_37 = vector.load %arg3[%get3A_35, %get3A_36] : memref<128x256xf32, #tpu.memory_space<vmem>>, vector<128x256xf32>
    %dot_general3A_38 = arith.constant dense<0.000000e+00> : vector<128x2000xf32>
    %dot_general3A_39 = tpu.matmul %get3A_37, %get3A_34, %dot_general3A_38 {dimension_numbers = #tpu.dot_dimension_numbers<[1], [0], [0], [1], [0, 0, 1, 1], [], []>, transpose_lhs_hint = false} : vector<128x256xf32>, vector<256x2000xf32>, vector<128x2000xf32> -> vector<128x2000xf32>
    %get3A_40 = arith.constant 0 : index
    %get3A_41 = arith.constant 0 : index
    %get3A_42 = vector.load %arg4[%get3A_40, %get3A_41] : memref<128x1xf32, #tpu.memory_space<vmem>>, vector<128x1xf32>
    %add3A_43 = vector.broadcast %get3A_42 : vector<128x1xf32> to vector<128x2000xf32>
    %add3A_44 = arith.addf %dot_general3A_39, %add3A_43 : vector<128x2000xf32>
    %get3A_45 = arith.constant 3 : index
    %get3A_46 = arith.constant 0 : index
    %get3A_47 = arith.constant 0 : index
    %get3A_48 = vector.load %arg1[%get3A_45, %get3A_46, %get3A_47] : memref<4x256x2000xf32, #tpu.memory_space<vmem>>, vector<1x256x2000xf32>
    %get3A_49 = vector.shape_cast %get3A_48 : vector<1x256x2000xf32> to vector<256x2000xf32>
    %get3A_50 = arith.constant 0 : index
    %get3A_51 = arith.constant 0 : index
    %get3A_52 = vector.load %arg3[%get3A_50, %get3A_51] : memref<128x256xf32, #tpu.memory_space<vmem>>, vector<128x256xf32>
    %dot_general3A_53 = arith.constant dense<0.000000e+00> : vector<128x2000xf32>
    %dot_general3A_54 = tpu.matmul %get3A_52, %get3A_49, %dot_general3A_53 {dimension_numbers = #tpu.dot_dimension_numbers<[1], [0], [0], [1], [0, 0, 1, 1], [], []>, transpose_lhs_hint = false} : vector<128x256xf32>, vector<256x2000xf32>, vector<128x2000xf32> -> vector<128x2000xf32>
    %get3A_55 = arith.constant 0 : index
    %get3A_56 = arith.constant 0 : index
    %get3A_57 = vector.load %arg4[%get3A_55, %get3A_56] : memref<128x1xf32, #tpu.memory_space<vmem>>, vector<128x1xf32>
    %add3A_58 = vector.broadcast %get3A_57 : vector<128x1xf32> to vector<128x2000xf32>
    %add3A_59 = arith.addf %dot_general3A_54, %add3A_58 : vector<128x2000xf32>
    %concatenate3A = tpu.concatenate %add3A_14, %add3A_29, %add3A_44, %add3A_59 in 0 : vector<128x2000xf32>, vector<128x2000xf32>, vector<128x2000xf32>, vector<128x2000xf32> -> vector<512x2000xf32>
    %convert_element_type3A = arith.truncf %concatenate3A : vector<512x2000xf32> to vector<512x2000xbf16>
    %dot_general3A_60 = arith.constant dense<0.000000e+00> : vector<512x2000xf32>
    %dot_general3A_61 = tpu.matmul %convert_element_type3A, %get3A_1, %dot_general3A_60 {dimension_numbers = #tpu.dot_dimension_numbers<[1], [1], [0], [0], [0, 0, 1, 0], [], []>, transpose_lhs_hint = false} : vector<512x2000xbf16>, vector<2000x2000xbf16>, vector<512x2000xf32> -> vector<512x2000xf32>
    %max3A = arith.constant 0.000000e+00 : f32
    %max3A_62 = vector.broadcast %max3A : f32 to vector<512x2000xf32>
    %max3A_63 = arith.maximumf %dot_general3A_61, %max3A_62 : vector<512x2000xf32>
    %slice3A = vector.extract_strided_slice %max3A_63 {offsets = [0, 0], sizes = [128, 2000], strides = [1, 1]} : vector<512x2000xf32> to vector<128x2000xf32>
    %get3A_64 = arith.constant 0 : index
    %get3A_65 = arith.constant 0 : index
    %get3A_66 = vector.load %arg5[%get3A_64, %get3A_65] : memref<32x128xf32, #tpu.memory_space<vmem>>, vector<32x128xf32>
    %dot_general3A_67 = arith.constant dense<0.000000e+00> : vector<32x2000xf32>
    %dot_general3A_68 = tpu.matmul %get3A_66, %slice3A, %dot_general3A_67 {dimension_numbers = #tpu.dot_dimension_numbers<[1], [0], [0], [1], [0, 0, 1, 1], [], []>, transpose_lhs_hint = false} : vector<32x128xf32>, vector<128x2000xf32>, vector<32x2000xf32> -> vector<32x2000xf32>
    %get3A_69 = arith.constant 0 : index
    %get3A_70 = arith.constant 0 : index
    %get3A_71 = vector.load %arg6[%get3A_69, %get3A_70] : memref<32x1xf32, #tpu.memory_space<vmem>>, vector<32x1xf32>
    %add3A_72 = vector.broadcast %get3A_71 : vector<32x1xf32> to vector<32x2000xf32>
    %add3A_73 = arith.addf %dot_general3A_68, %add3A_72 : vector<32x2000xf32>
    %slice3A_74 = vector.extract_strided_slice %max3A_63 {offsets = [128, 0], sizes = [128, 2000], strides = [1, 1]} : vector<512x2000xf32> to vector<128x2000xf32>
    %get3A_75 = arith.constant 0 : index
    %get3A_76 = arith.constant 0 : index
    %get3A_77 = vector.load %arg5[%get3A_75, %get3A_76] : memref<32x128xf32, #tpu.memory_space<vmem>>, vector<32x128xf32>
    %dot_general3A_78 = arith.constant dense<0.000000e+00> : vector<32x2000xf32>
    %dot_general3A_79 = tpu.matmul %get3A_77, %slice3A_74, %dot_general3A_78 {dimension_numbers = #tpu.dot_dimension_numbers<[1], [0], [0], [1], [0, 0, 1, 1], [], []>, transpose_lhs_hint = false} : vector<32x128xf32>, vector<128x2000xf32>, vector<32x2000xf32> -> vector<32x2000xf32>
    %get3A_80 = arith.constant 0 : index
    %get3A_81 = arith.constant 0 : index
    %get3A_82 = vector.load %arg6[%get3A_80, %get3A_81] : memref<32x1xf32, #tpu.memory_space<vmem>>, vector<32x1xf32>
    %add3A_83 = vector.broadcast %get3A_82 : vector<32x1xf32> to vector<32x2000xf32>
    %add3A_84 = arith.addf %dot_general3A_79, %add3A_83 : vector<32x2000xf32>
    %slice3A_85 = vector.extract_strided_slice %max3A_63 {offsets = [256, 0], sizes = [128, 2000], strides = [1, 1]} : vector<512x2000xf32> to vector<128x2000xf32>
    %get3A_86 = arith.constant 0 : index
    %get3A_87 = arith.constant 0 : index
    %get3A_88 = vector.load %arg5[%get3A_86, %get3A_87] : memref<32x128xf32, #tpu.memory_space<vmem>>, vector<32x128xf32>
    %dot_general3A_89 = arith.constant dense<0.000000e+00> : vector<32x2000xf32>
    %dot_general3A_90 = tpu.matmul %get3A_88, %slice3A_85, %dot_general3A_89 {dimension_numbers = #tpu.dot_dimension_numbers<[1], [0], [0], [1], [0, 0, 1, 1], [], []>, transpose_lhs_hint = false} : vector<32x128xf32>, vector<128x2000xf32>, vector<32x2000xf32> -> vector<32x2000xf32>
    %get3A_91 = arith.constant 0 : index
    %get3A_92 = arith.constant 0 : index
    %get3A_93 = vector.load %arg6[%get3A_91, %get3A_92] : memref<32x1xf32, #tpu.memory_space<vmem>>, vector<32x1xf32>
    %add3A_94 = vector.broadcast %get3A_93 : vector<32x1xf32> to vector<32x2000xf32>
    %add3A_95 = arith.addf %dot_general3A_90, %add3A_94 : vector<32x2000xf32>
    %slice3A_96 = vector.extract_strided_slice %max3A_63 {offsets = [384, 0], sizes = [128, 2000], strides = [1, 1]} : vector<512x2000xf32> to vector<128x2000xf32>
    %get3A_97 = arith.constant 0 : index
    %get3A_98 = arith.constant 0 : index
    %get3A_99 = vector.load %arg5[%get3A_97, %get3A_98] : memref<32x128xf32, #tpu.memory_space<vmem>>, vector<32x128xf32>
    %dot_general3A_100 = arith.constant dense<0.000000e+00> : vector<32x2000xf32>
    %dot_general3A_101 = tpu.matmul %get3A_99, %slice3A_96, %dot_general3A_100 {dimension_numbers = #tpu.dot_dimension_numbers<[1], [0], [0], [1], [0, 0, 1, 1], [], []>, transpose_lhs_hint = false} : vector<32x128xf32>, vector<128x2000xf32>, vector<32x2000xf32> -> vector<32x2000xf32>
    %get3A_102 = arith.constant 0 : index
    %get3A_103 = arith.constant 0 : index
    %get3A_104 = vector.load %arg6[%get3A_102, %get3A_103] : memref<32x1xf32, #tpu.memory_space<vmem>>, vector<32x1xf32>
    %add3A_105 = vector.broadcast %get3A_104 : vector<32x1xf32> to vector<32x2000xf32>
    %add3A_106 = arith.addf %dot_general3A_101, %add3A_105 : vector<32x2000xf32>
    %concatenate3A_107 = tpu.concatenate %add3A_73, %add3A_84, %add3A_95, %add3A_106 in 0 : vector<32x2000xf32>, vector<32x2000xf32>, vector<32x2000xf32>, vector<32x2000xf32> -> vector<128x2000xf32>
    %convert_element_type3A_108 = arith.truncf %concatenate3A_107 : vector<128x2000xf32> to vector<128x2000xbf16>
    %dot_general3A_109 = arith.constant dense<0.000000e+00> : vector<128x2000xf32>
    %dot_general3A_110 = tpu.matmul %convert_element_type3A_108, %get3A_1, %dot_general3A_109 {dimension_numbers = #tpu.dot_dimension_numbers<[1], [1], [0], [0], [0, 0, 1, 0], [], []>, transpose_lhs_hint = false} : vector<128x2000xbf16>, vector<2000x2000xbf16>, vector<128x2000xf32> -> vector<128x2000xf32>
    %max3A_111 = arith.constant 0.000000e+00 : f32
    %max3A_112 = vector.broadcast %max3A_111 : f32 to vector<128x2000xf32>
    %max3A_113 = arith.maximumf %dot_general3A_110, %max3A_112 : vector<128x2000xf32>
    %slice3A_114 = vector.extract_strided_slice %max3A_113 {offsets = [0, 0], sizes = [32, 2000], strides = [1, 1]} : vector<128x2000xf32> to vector<32x2000xf32>
    %swap3A = arith.constant 0 : index
    %swap3A_115 = arith.constant 0 : index
    %swap3A_116 = arith.constant 0 : index
    %swap3A_117 = vector.load %arg7[%swap3A, %swap3A_115, %swap3A_116] : memref<4x32x2000xf32, #tpu.memory_space<vmem>>, vector<1x32x2000xf32>
    %swap3A_118 = vector.shape_cast %swap3A_117 : vector<1x32x2000xf32> to vector<32x2000xf32>
    %swap3A_119 = vector.shape_cast %slice3A_114 : vector<32x2000xf32> to vector<1x32x2000xf32>
    tpu.vector_store %arg7[%swap3A, %swap3A_115, %swap3A_116], %swap3A_119 {strides = array<i32>} : memref<4x32x2000xf32, #tpu.memory_space<vmem>>, vector<1x32x2000xf32>,
    %slice3A_120 = vector.extract_strided_slice %max3A_113 {offsets = [32, 0], sizes = [32, 2000], strides = [1, 1]} : vector<128x2000xf32> to vector<32x2000xf32>
    %swap3A_121 = arith.constant 1 : index
    %swap3A_122 = arith.constant 0 : index
    %swap3A_123 = arith.constant 0 : index
    %swap3A_124 = vector.load %arg7[%swap3A_121, %swap3A_122, %swap3A_123] : memref<4x32x2000xf32, #tpu.memory_space<vmem>>, vector<1x32x2000xf32>
    %swap3A_125 = vector.shape_cast %swap3A_124 : vector<1x32x2000xf32> to vector<32x2000xf32>
    %swap3A_126 = vector.shape_cast %slice3A_120 : vector<32x2000xf32> to vector<1x32x2000xf32>
    tpu.vector_store %arg7[%swap3A_121, %swap3A_122, %swap3A_123], %swap3A_126 {strides = array<i32>} : memref<4x32x2000xf32, #tpu.memory_space<vmem>>, vector<1x32x2000xf32>,
    %slice3A_127 = vector.extract_strided_slice %max3A_113 {offsets = [64, 0], sizes = [32, 2000], strides = [1, 1]} : vector<128x2000xf32> to vector<32x2000xf32>
    %swap3A_128 = arith.constant 2 : index
    %swap3A_129 = arith.constant 0 : index
    %swap3A_130 = arith.constant 0 : index
    %swap3A_131 = vector.load %arg7[%swap3A_128, %swap3A_129, %swap3A_130] : memref<4x32x2000xf32, #tpu.memory_space<vmem>>, vector<1x32x2000xf32>
    %swap3A_132 = vector.shape_cast %swap3A_131 : vector<1x32x2000xf32> to vector<32x2000xf32>
    %swap3A_133 = vector.shape_cast %slice3A_127 : vector<32x2000xf32> to vector<1x32x2000xf32>
    tpu.vector_store %arg7[%swap3A_128, %swap3A_129, %swap3A_130], %swap3A_133 {strides = array<i32>} : memref<4x32x2000xf32, #tpu.memory_space<vmem>>, vector<1x32x2000xf32>,
    %slice3A_134 = vector.extract_strided_slice %max3A_113 {offsets = [96, 0], sizes = [32, 2000], strides = [1, 1]} : vector<128x2000xf32> to vector<32x2000xf32>
    %swap3A_135 = arith.constant 3 : index
    %swap3A_136 = arith.constant 0 : index
    %swap3A_137 = arith.constant 0 : index
    %swap3A_138 = vector.load %arg7[%swap3A_135, %swap3A_136, %swap3A_137] : memref<4x32x2000xf32, #tpu.memory_space<vmem>>, vector<1x32x2000xf32>
    %swap3A_139 = vector.shape_cast %swap3A_138 : vector<1x32x2000xf32> to vector<32x2000xf32>
    %swap3A_140 = vector.shape_cast %slice3A_134 : vector<32x2000xf32> to vector<1x32x2000xf32>
    tpu.vector_store %arg7[%swap3A_135, %swap3A_136, %swap3A_137], %swap3A_140 {strides = array<i32>} : memref<4x32x2000xf32, #tpu.memory_space<vmem>>, vector<1x32x2000xf32>,
    return
  }
  func.func @transform_0(%arg0: i32) -> (i32, i32, i32) {
    %c0_i32 = arith.constant 0 : i32
    %c0_i32_0 = arith.constant 0 : i32
    %c0_i32_1 = arith.constant 0 : i32
    return %arg0, %c0_i32, %c0_i32_0 : i32, i32, i32
  }
  func.func @transform_1(%arg0: i32) -> (i32, i32) {
    %c0_i32 = arith.constant 0 : i32
    %c0_i32_0 = arith.constant 0 : i32
    %c0_i32_1 = arith.constant 0 : i32
    return %c0_i32, %c0_i32_0 : i32, i32
  }
  func.func @transform_2(%arg0: i32) -> (i32, i32) {
    %c0_i32 = arith.constant 0 : i32
    %c0_i32_0 = arith.constant 0 : i32
    %c0_i32_1 = arith.constant 0 : i32
    return %c0_i32, %c0_i32_0 : i32, i32
  }
  func.func @transform_3(%arg0: i32) -> (i32, i32) {
    %c0_i32 = arith.constant 0 : i32
    %c0_i32_0 = arith.constant 0 : i32
    %c0_i32_1 = arith.constant 0 : i32
    return %c0_i32, %c0_i32_0 : i32, i32
  }
  func.func @transform_4(%arg0: i32) -> (i32, i32) {
    %c0_i32 = arith.constant 0 : i32
    %c0_i32_0 = arith.constant 0 : i32
    %c0_i32_1 = arith.constant 0 : i32
    return %c0_i32, %c0_i32_0 : i32, i32
  }
  func.func @transform_5(%arg0: i32) -> (i32, i32) {
    %c0_i32 = arith.constant 0 : i32
    %c0_i32_0 = arith.constant 0 : i32
    %c0_i32_1 = arith.constant 0 : i32
    return %c0_i32, %c0_i32_0 : i32, i32
  }
  func.func @transform_6(%arg0: i32) -> (i32, i32, i32) {
    %c0_i32 = arith.constant 0 : i32
    %c0_i32_0 = arith.constant 0 : i32
    %c0_i32_1 = arith.constant 0 : i32
    return %arg0, %c0_i32, %c0_i32_0 : i32, i32, i32
  }
}

</mosaic_0001>

<sc_bundles>
// kernel: kernel.6.cloned.1.call-start
scs
__scs_entry_jumppad:
0x0: {  	(pc) =	sbr.rel $0x88, $3  }
0x1: {  	(tag) =	ssettag $0x0;
	lr =	simm.s32 $0x1  }
0x2: {  	[smem:$0x3F95] =	sst lr;
	_ =	strace $0xD0000000  }
0x3: {  	_ = 	snop  }
0x4: {  	_ = 	snop  }
0x5: {  	_ = 	snop  }
0x6: {  	_ = 	snop  }
0x7: {  	_ = 	snop  }
__scs_overlays_trampoline_lowered:
0x8: {  	[smem:$0x3FA4] =	sst s0  }
0x9: {  	[smem:$0x3FA5] =	sst s1  }
0xa: {  	[smem:$0x3FA6] =	sst s2  }
0xb: {  	[smem:$0x3FA7] =	sst s3  }
0xc: {  	[smem:$0x3FA8] =	sst s4  }
0xd: {  	[smem:$0x3FA9] =	sst s5  }
0xe: {  	[smem:$0x3FAA] =	sst s6  }
0xf: {  	[smem:$0x3FAB] =	sst s7  }
0x10: {  	[smem:$0x3FAC] =	sst s8  }
0x11: {  	[smem:$0x3FAD] =	sst s9;
	s0 =	simm.s32 @!p0 $0x0  }
0x12: {  	s1 =	sld [smem:$0x3F93];
	s0 =	simm.s32 @p0 $0x1  }
0x13: {  	[smem:$0x3FAE] =	sst s0;
	s0 =	simm.s32 @!p1 $0x0  }
0x14: {  	s2 =	sld [smem:$0x3F92];
	s0 =	simm.s32 @p1 $0x1  }
0x15: {  	[smem:$0x3FAF] =	sst s0;
	s0 =	simm.s32 @!p2 $0x0  }
0x16: {  	s3 =	sld [smem:$0x3FDB];
	s0 =	simm.s32 @p2 $0x1  }
0x17: {  	s4 =	simm.s32 $0x1BF5;
	[smem:$0x3FB1] =	sst s0  }
0x18: {  	s0 =	sld [smem:$0x3F94];
	_ =	swait.ge [sflag:s4], $0x0  }
0x19: {  	s7 =	sld [smem:$0x3F95]  }
0x1a: {  	s8 =	sadd.s32 $0xFFFFE003, lr  }
0x1b: {  	s9 =	sadd.s32 $0xFFFFFEF7, lr;
	s5 =	simm.s32 $0xFFFFFFFF;
	p2 =	slt.u32 s8, $0xFFFFF086  }
0x1c: {  	p1 =	slt.u32 s9, $0xF7A;
	s5 =	simm.s32 @!p2 $0x0  }
0x1d: {  	s5 =	simm.s32 @p1 $0x1;
	p0 =	seq.s32 s7, s2  }
0x1e: {  	s7 =	smul.u32 @!p0 $0xF7A, s2;
	p2 =	seq.s32 @!p0 s5, $0x0  }
0x1f: {  	s9 =	smul.u32 $0xF7A, s1;
	s8 =	simm.s32 @!p0 $0x1BF5;
	p2 =	por !p2, p0  }
0x20: {  	[sflag:s8] =	ssyncset.s32 @!p0 $0xFFFFF086;
	s6 =	sadd.s32 @!p0 s3, s7;
	s7 =	simm.s32 @!p0 $0x108  }
0x21: {  	s3 =	sadd.s32 s3, s9;
	s6 =	sadd.s32 @!p0 $0x88, s6;
	s7 =	simm.s32 @p2 $0x1082  }
0x22: {  	[simem:s7], [sflag:s8] =	dma.local @!p0 [hbm:s6], $0xF7A  }
0x23: {  	s9 =	sor.u32 $0xD0000000, s2;
	s6 =	simm.s32 $0x108;
	_ =	swait.ge @!p0 [sflag:s8], $0x0  }
0x24: {  	s3 =	sadd.s32 $0x88, s3;
	s6 =	simm.s32 @!p1 $0x1082;
	[sflag:s4] =	ssyncset.s32 $0xFFFFF086  }
0x25: {  	[simem:s6], [sflag:s4] =	dma.local [hbm:s3], $0xF7A  }
0x26: {  	[smem:$0x3F95] =	sst s1;
	(tag) =	ssettag s2;
	_ =	strace s9  }
0x27: {  	s1 =	sld [smem:$0x3FA5]  }
0x28: {  	s2 =	sld [smem:$0x3FA6]  }
0x29: {  	s4 =	sld [smem:$0x3FA8]  }
0x2a: {  	p0 =	seq.s32 s5, $0x0;
	s5 =	sld [smem:$0x3FA9]  }
0x2b: {  	s6 =	sld [smem:$0x3FAA]  }
0x2c: {  	s7 =	sld [smem:$0x3FAB]  }
0x2d: {  	s3 =	simm.s32 $0x108;
	s8 =	sld [smem:$0x3FAC]  }
0x2e: {  	s3 =	simm.s32 @!p0 $0x1082;
	s9 =	sld [smem:$0x3FAD]  }
0x2f: {  	lr =	sadd.s32 s0, s3;
	s0 =	sld [smem:$0x3FA4]  }
0x30: {  	s3 =	sld [smem:$0x3FA7]  }
0x31: {  	[smem:$0x3FB0] =	sst s10  }
0x32: {  	s10 =	sld [smem:$0x3FAE];
	_ =	sdelay $0x3  }
0x33: {  	p0 =	seq.s32 s10, $0x1;
	s10 =	sld [smem:$0x3FB0];
	_ =	sdelay $0x3  }
0x34: {  	[smem:$0x3FB0] =	sst s10  }
0x35: {  	s10 =	sld [smem:$0x3FAF];
	_ =	sdelay $0x3  }
0x36: {  	p1 =	seq.s32 s10, $0x1;
	s10 =	sld [smem:$0x3FB0];
	_ =	sdelay $0x3  }
0x37: {  	[smem:$0x3FB0] =	sst s10  }
0x38: {  	s10 =	sld [smem:$0x3FB1]  }
0x39: {  	_ = 	snop;
	(pc) =	sbr.ind lr, $3  }
0x3a: {  	_ = 	snop  }
0x3b: {  	_ = 	snop  }
0x3c: {  	p2 =	seq.s32 s10, $0x1;
	s10 =	sld [smem:$0x3FB0]  }
0x3d: {  	_ =	shalt  }
0x3e: {  	_ =	shalt  }
0x3f: {  	_ =	shalt  }
0x40: {  	_ =	shalt  }
0x41: {  	_ =	shalt  }
0x42: {  	_ =	shalt  }
0x43: {  	_ =	shalt  }
0x44: {  	_ =	shalt  }
0x45: {  	_ =	shalt  }
0x46: {  	_ =	shalt  }
0x47: {  	_ =	shalt  }
0x48: {  	_ =	shalt  }
0x49: {  	_ =	shalt  }
0x4a: {  	_ =	shalt  }
0x4b: {  	_ =	shalt  }
0x4c: {  	_ =	shalt  }
0x4d: {  	_ =	shalt  }
0x4e: {  	_ =	shalt  }
0x4f: {  	_ =	shalt  }
0x50: {  	_ =	shalt  }
0x51: {  	_ =	shalt  }
0x52: {  	_ =	shalt  }
0x53: {  	_ =	shalt  }
0x54: {  	_ =	shalt  }
0x55: {  	_ =	shalt  }
0x56: {  	_ =	shalt  }
0x57: {  	_ =	shalt  }
0x58: {  	_ =	shalt  }
0x59: {  	_ =	shalt  }
0x5a: {  	_ =	shalt  }
0x5b: {  	_ =	shalt  }
0x5c: {  	_ =	shalt  }
0x5d: {  	_ =	shalt  }
0x5e: {  	_ =	shalt  }
0x5f: {  	_ =	shalt  }
0x60: {  	_ =	shalt  }
0x61: {  	_ =	shalt  }
0x62: {  	_ =	shalt  }
0x63: {  	_ =	shalt  }
0x64: {  	_ =	shalt  }
0x65: {  	_ =	shalt  }
0x66: {  	_ =	shalt  }
0x67: {  	_ =	shalt  }
0x68: {  	_ =	shalt  }
0x69: {  	_ =	shalt  }
0x6a: {  	_ =	shalt  }
0x6b: {  	_ =	shalt  }
0x6c: {  	_ =	shalt  }
0x6d: {  	_ =	shalt  }
0x6e: {  	_ =	shalt  }
0x6f: {  	_ =	shalt  }
0x70: {  	_ =	shalt  }
0x71: {  	_ =	shalt  }
0x72: {  	_ =	shalt  }
0x73: {  	_ =	shalt  }
0x74: {  	_ =	shalt  }
0x75: {  	_ =	shalt  }
0x76: {  	_ =	shalt  }
0x77: {  	_ =	shalt  }
0x78: {  	_ =	shalt  }
0x79: {  	_ =	shalt  }
0x7a: {  	_ =	shalt  }
0x7b: {  	_ =	shalt  }
0x7c: {  	_ =	shalt  }
0x7d: {  	_ =	shalt  }
0x7e: {  	_ =	shalt  }
0x7f: {  	_ =	shalt  }
0x80: {  	_ =	shalt  }
0x81: {  	_ =	shalt  }
0x82: {  	_ =	shalt  }
0x83: {  	_ =	shalt  }
0x84: {  	_ =	shalt  }
0x85: {  	_ =	shalt  }
0x86: {  	_ =	shalt  }
0x87: {  	_ =	shalt  }
.Lfunc_end0:
.L_simem_size_0:
called_computation_lowered:
.L_overlay_start_0:
0x88: {  	s2 =	sld [smem:$0x3FD9]  }
0x89: {  	s3 =	sld [smem:$0x3FFE];
	_ =	sdelay $0x1  }
0x8a: {  	s1 =	srdreg.scid  }
0x8b: {  	s0 =	sand.u32 $0x1, s1  }
0x8c: {  	s17 =	sshll.u32 s0, $0xA;
	s2 =	sadd.s32 s3, s2  }
0x8d: {  	s2 =	sadd.s32 s2, s17  }
0x8e: {  	[smem:$0x3FBC] =	sst s2  }
0x8f: {  	_ = 	snop  }
0x90: {  	s2 =	sld [smem:$0x3FC8]  }
0x91: {  	s18 =	sld [smem:$0x3FC7]  }
0x92: {  	s4 =	sld [smem:$0x3FD0];
	(tm) =	ssettm $0x1  }
0x93: {  	s5 =	sld [smem:$0x3FFB];
	_ =	sdelay $0x3  }
0x94: {  	_ =	strace s5  }
0x95: {  	s5 =	sld [smem:$0x3FFC];
	_ =	sdelay $0x3  }
0x96: {  	_ =	strace s5  }
0x97: {  	s5 =	sld [smem:$0x3FFD];
	_ =	sdelay $0x3  }
0x98: {  	_ =	strace s5  }
0x99: {  	_ =	strace $0x8FFFFFFF  }
0x9a: {  	s19 =	sld [smem:$0x3FDB];
	_ =	sdelay $0x1  }
0x9b: {  	s6 =	simm.s32 $_scs_section_size  }
0x9c: {  	s7 =	simm.s32 $_size__tile_overlayer_lowered;
	s8 =	simm.s32 $_tile_overlayer_lowered  }
0x9d: {  	s22 =	simm.s32 $0x1BFF;
	s21 =	sshll.u32 s8, $0x1;
	s5 =	sadd.s32 s6, s19  }
0x9e: {  	s9 =	simm.s32 $0x0;
	s20 =	sshll.u32 s7, $0x1;
	s7 =	sadd.s32 s21, s5  }
0x9f: {  	[timem:s9], [sflag:s22] =	dma.local [hbm:s7], s20  }
0xa0: {  	_ =	swait.ge [sflag:s22], s20  }
0xa1: {  	s6 =	ssub.s32 $0x0, s20;
	[sflag:s22] =	ssyncset.done $0x0  }
0xa2: {  	[sflag:s22] =	ssyncadd.s32 s6;
	_ =	sdelay $0x1  }
0xa3: {  	s23 =	simm.s32 $0x1B8B  }
0xa4: {  	_ =	swait.ge [sflag:s23], $0x1  }
0xa5: {  	[sflag:s23] =	ssyncset.done $0x0  }
0xa6: {  	s25 =	simm.s32 $0x1B8E;
	s24 =	sld [smem:$0x3FFE];
	[sflag:s23] =	ssyncadd.s32 $0xFFFFFFFF  }
0xa7: {  	s26 =	simm.s32 $execute0_lowered;
	[smem:$0x3FD2] =	sst s25  }
0xa8: {  	s7 =	sshll.u32 s26, $0x1;
	_ =	strace $0x80000046;
	[dreg:$0x1] =	wrdreg $0xFFFFFFFF  }
0xa9: {  	s28 =	simm.s32 $_size_execute0_lowered;
	s5 =	sadd.s32 s5, s7;
	[dreg:$0x0] =	wrdreg $0x0  }
0xaa: {  	s7 =	sshll.u32 s28, $0x1;
	[dreg:$0x2] =	wrdreg s5  }
0xab: {  	[dreg:$0x3] =	wrdreg s7  }
0xac: {  	[dreg:$0x4] =	wrdreg $0xC0  }
0xad: {  	_ =	task [dreg:s9], $0x5FFFF  }
0xae: {  	[dreg:$0x1] =	wrdreg $0xFFFFFFFF  }
0xaf: {  	[dreg:$0x0] =	wrdreg $0x60  }
0xb0: {  	[dreg:$0x2] =	wrdreg s2  }
0xb1: {  	[dreg:$0x3] =	wrdreg s18  }
0xb2: {  	[dreg:$0x4] =	wrdreg s24  }
0xb3: {  	[dreg:$0x5] =	wrdreg s4  }
0xb4: {  	[dreg:$0x6] =	wrdreg $0x9  }
0xb5: {  	_ =	task.clear_ibuf [dreg:s9], $0x7FFFF;
	_ =	strace $0x90000046  }
0xb6: {  	s29 =	simm.s32 $0x9;
	_ =	strace $0x80000048  }
0xb7: {  	_ =	swait.ge [sflag:s29], $0x1  }
0xb8: {  	[sflag:s29] =	ssyncadd.s32 $0xFFFFFFFF  }
0xb9: {  	_ =	strace $0x90000048  }
0xba: {  	_ =	sfence  }
0xbb: {  	s30 =	sld [smem:$0x0];
	_ =	sdelay $0x2  }
0xbc: {  	s31 =	sshll.u32 s1, $0xD;
	s1 =	sshrl.u32 s1, $0x2  }
0xbd: {  	s3 =	sand.u32 $0x4000, s31;
	s1 =	sadd.s32 s1, s30  }
0xbe: {  	s0 =	sor.u32 s3, s0;
	s1 =	sshll.u32 s1, $0x11  }
0xbf: {  	s0 =	sor.u32 s1, s0  }
0xc0: {  	s0 =	sadd.s32 $0x8F2B, s0  }
0xc1: {  	[sflag:s0] =	ssyncadd.remote.s32 $0x1  }
0xc2: {  	_ =	sfence.sel $0xFFFF  }
0xc3: {  	[dreg:$0x0] =	wrdreg $0xFFFFFFFF;
	(pc) =	sbr.abs _section_cstart, $3  }
0xc4: {  	[dreg:$0x1] =	wrdreg $0xFFFFFFFF  }
0xc5: {  	_ =	task.clear_ibuf [dreg:s9], $0x2FFFF;
	_ =	strace $0x9FFFFFFF  }
0xc6: {  	(tm) =	ssettm $0x7FFFFFFF  }
0xc7: {  	_ =	shalt  }
tec
execute0_lowered:
.L_overlay_start_1:
0x0: {  	(tag) =	ssettag $0x1  }
0x1: {  	s1 =	rddreg [dreg:$0x0]  }
0x2: {  	s2 =	rddreg [dreg:$0x1]  }
0x3: {  	s5 =	rddreg [dreg:$0x2]  }
0x4: {  	s7 =	rddreg [dreg:$0x3]  }
0x5: {  	s0 =	rddreg [dreg:$0x4]  }
0x6: {  	s6 =	srdreg.scid;
	s4 =	simm.s32 $0x0;
	s3 =	stileid.u32  }
0x7: {  	s12 =	simm.s32 $0x1080;
	s13 =	simm.s32 $0x1880;
	s14 =	simm.s32 $0x2080  }
0x8: {  	s15 =	simm.s32 $0x2880;
	s16 =	simm.s32 $0x3080;
	s17 =	simm.s32 $0x3880  }
0x9: {  	s18 =	simm.s32 $0x1;
	s6 =	sand.u32 $0x1, s6;
	[smem:$0x7FF] =	sst s4  }
0xa: {  	s8 =	sshll.u32 s3, $0x7;
	s9 =	sshll.u32 s6, $0x6;
	s6 =	ssub.s32 $0x2, s6  }
0xb: {  	_ =	strace $0x80000047;
	s8 =	sor.u32 s9, s8;
	s31 =	sshrl.u32 s6, $0x1  }
0xc: {  	s9 =	sshrl.u32 s8, $0x3;
	s8 =	sshll.u32 s8, $0x5;
	s11 =	ssub.s32 s6, s31  }
0xd: {  	v2 =	vlaneseq.u32;
	s9 =	sadd.s32 s9, s5;
	s10 =	sadd.s32 s8, s5;
	s7 =	sadd.s32 s7, s8  }
0xe: {  	vm0 =	vmmov $0xffff;
	v1 =	vshrl.u32 v2, $0x3;
	s8 =	smax.u32 s11, $0x1;
	s11 =	simm.s32 $0x880;
	s5 =	sadd.s32 $0x2000, s9  }
0xf: {  	v0 =	vand.u32 $0x7, v2;
	v2 =	vor.u32 $0x8, v2;
	v1 =	vmul.u32 $0x8, v1;
	s6 =	sadd.s32 $0x2200, s10;
	s9 =	simm.s32 $0x2;
	s10 =	simm.s32 $0x80  }
.LBB2_1:
0x10: {  	[tilespmem:s4], [sflag:$0x2] =	stream.linear.gather [hbm4b:s5+s4], $0x40, $0x38;
	[tilespmem:$0x4080] =	vst v63  }
0x11: {  	_ =	swait.ge [sflag:s9], $0x40  }
0x12: {  	[sflag:s9] =	ssyncset.done $0x0  }
0x13: {  	[sflag:s9] =	ssyncadd.s32 $0xFFFFFFC0  }
0x14: {  	v3 =	vld [tilespmem:$0x0];
	_ =	sdelay $0x4  }
0x15: {  	v4 =	vshll.u32 v3, $0x1  }
0x16: {  	v3 =	vand.u32 $0x7, v3;
	v4 =	vand.u32 $0xFFFFFFF0, v4  }
0x17: {  	v3 =	vor.u32 v3, v4  }
0x18: {  	v4 =	vperm.xlane v3, v0;
	_ =	sdelay $0x1  }
0x19: {  	v3 =	vperm.xlane v3, v2;
	v4 =	vadd.s32 v1, v4;
	_ =	sdelay $0x1  }
0x1a: {  	v3 =	vadd.s32 v1, v3;
	_ =	sdelay $0x2  }
0x1b: {  	[tilespmem:s10], [sflag:$0x1] =	stream.indirect_vreg.gather [hbm4b:s1+s4], $0x80, v4, vm0, $0xb8;
	[tilespmem:$0x4080] =	vst v63  }
0x1c: {  	_ = 	snop  }
0x1d: {  	[tilespmem:s11], [sflag:$0x1] =	stream.indirect_vreg.gather [hbm4b:s1+s4], $0x80, v3, vm0, $0xb8;
	[tilespmem:$0x4080] =	vst v63  }
0x1e: {  	v3 =	vld [tilespmem:$0x10];
	_ =	sdelay $0x4  }
0x1f: {  	v57 =	vshll.u32 v3, $0x1  }
0x20: {  	v3 =	vand.u32 $0x7, v3;
	v4 =	vand.u32 $0xFFFFFFF0, v57  }
0x21: {  	v3 =	vor.u32 v3, v4  }
0x22: {  	v4 =	vperm.xlane v3, v0;
	_ =	sdelay $0x1  }
0x23: {  	v3 =	vperm.xlane v3, v2;
	v4 =	vadd.s32 v1, v4;
	_ =	sdelay $0x1  }
0x24: {  	v3 =	vadd.s32 v1, v3;
	_ =	sdelay $0x2  }
0x25: {  	[tilespmem:s12], [sflag:$0x1] =	stream.indirect_vreg.gather [hbm4b:s1+s4], $0x80, v4, vm0, $0xb8;
	[tilespmem:$0x4080] =	vst v63  }
0x26: {  	_ = 	snop  }
0x27: {  	[tilespmem:s13], [sflag:$0x1] =	stream.indirect_vreg.gather [hbm4b:s1+s4], $0x80, v3, vm0, $0xb8;
	[tilespmem:$0x4080] =	vst v63  }
0x28: {  	v3 =	vld [tilespmem:$0x20];
	_ =	sdelay $0x4  }
0x29: {  	v58 =	vshll.u32 v3, $0x1  }
0x2a: {  	v3 =	vand.u32 $0x7, v3;
	v4 =	vand.u32 $0xFFFFFFF0, v58  }
0x2b: {  	v3 =	vor.u32 v3, v4  }
0x2c: {  	v4 =	vperm.xlane v3, v0;
	_ =	sdelay $0x1  }
0x2d: {  	v3 =	vperm.xlane v3, v2;
	v4 =	vadd.s32 v1, v4;
	_ =	sdelay $0x1  }
0x2e: {  	v3 =	vadd.s32 v1, v3;
	_ =	sdelay $0x2  }
0x2f: {  	[tilespmem:s14], [sflag:$0x1] =	stream.indirect_vreg.gather [hbm4b:s1+s4], $0x80, v4, vm0, $0xb8;
	[tilespmem:$0x4080] =	vst v63  }
0x30: {  	_ = 	snop  }
0x31: {  	[tilespmem:s15], [sflag:$0x1] =	stream.indirect_vreg.gather [hbm4b:s1+s4], $0x80, v3, vm0, $0xb8;
	[tilespmem:$0x4080] =	vst v63  }
0x32: {  	v3 =	vld [tilespmem:$0x30];
	_ =	sdelay $0x4  }
0x33: {  	v59 =	vshll.u32 v3, $0x1  }
0x34: {  	v3 =	vand.u32 $0x7, v3;
	v4 =	vand.u32 $0xFFFFFFF0, v59  }
0x35: {  	v3 =	vor.u32 v3, v4  }
0x36: {  	v4 =	vperm.xlane v3, v0;
	_ =	sdelay $0x1  }
0x37: {  	v3 =	vperm.xlane v3, v2;
	v4 =	vadd.s32 v1, v4;
	_ =	sdelay $0x1  }
0x38: {  	v3 =	vadd.s32 v1, v3;
	_ =	sdelay $0x2  }
0x39: {  	[tilespmem:s16], [sflag:$0x1] =	stream.indirect_vreg.gather [hbm4b:s1+s4], $0x80, v4, vm0, $0xb8;
	[tilespmem:$0x4080] =	vst v63  }
0x3a: {  	_ = 	snop  }
0x3b: {  	[tilespmem:s17], [sflag:$0x1] =	stream.indirect_vreg.gather [hbm4b:s1+s4], $0x80, v3, vm0, $0xb8;
	[tilespmem:$0x4080] =	vst v63  }
0x3c: {  	_ =	swait.ge [sflag:s18], $0x4000  }
0x3d: {  	[sflag:s18] =	ssyncset.done $0x0  }
0x3e: {  	[sflag:s18] =	ssyncadd.s32 $0xFFFFC000  }
0x3f: {  	[hbm4b:s6+s4] =	stream.linear.scatter [tilespmem:s10], [sflag:$0x2], $0x4000, $0x38;
	[tilespmem:$0x4080] =	vst v63  }
0x40: {  	_ =	swait.ge [sflag:s9], $0x4000  }
0x41: {  	[sflag:s9] =	ssyncset.done $0x0  }
0x42: {  	[sflag:s9] =	ssyncadd.s32 $0xFFFFC000  }
0x43: {  	v3 =	vld [tilespmem:$0x0];
	_ =	sdelay $0x4  }
0x44: {  	v60 =	vshll.u32 v3, $0x1  }
0x45: {  	v3 =	vand.u32 $0x7, v3;
	v4 =	vand.u32 $0xFFFFFFF0, v60  }
0x46: {  	v3 =	vor.u32 v3, v4  }
0x47: {  	v4 =	vperm.xlane v3, v0;
	_ =	sdelay $0x1  }
0x48: {  	v3 =	vperm.xlane v3, v2;
	v4 =	vadd.s32 v1, v4;
	_ =	sdelay $0x1  }
0x49: {  	v3 =	vadd.s32 v1, v3;
	_ =	sdelay $0x2  }
0x4a: {  	[tilespmem:s10], [sflag:$0x1] =	stream.indirect_vreg.gather [hbm4b:s2+s4], $0x80, v4, vm0, $0xb8;
	[tilespmem:$0x4080] =	vst v63  }
0x4b: {  	_ = 	snop  }
0x4c: {  	[tilespmem:s11], [sflag:$0x1] =	stream.indirect_vreg.gather [hbm4b:s2+s4], $0x80, v3, vm0, $0xb8;
	[tilespmem:$0x4080] =	vst v63  }
0x4d: {  	v3 =	vld [tilespmem:$0x10];
	_ =	sdelay $0x4  }
0x4e: {  	v61 =	vshll.u32 v3, $0x1  }
0x4f: {  	v3 =	vand.u32 $0x7, v3;
	v4 =	vand.u32 $0xFFFFFFF0, v61  }
0x50: {  	v3 =	vor.u32 v3, v4  }
0x51: {  	v4 =	vperm.xlane v3, v0;
	_ =	sdelay $0x1  }
0x52: {  	v3 =	vperm.xlane v3, v2;
	v4 =	vadd.s32 v1, v4;
	_ =	sdelay $0x1  }
0x53: {  	v3 =	vadd.s32 v1, v3;
	_ =	sdelay $0x2  }
0x54: {  	[tilespmem:s12], [sflag:$0x1] =	stream.indirect_vreg.gather [hbm4b:s2+s4], $0x80, v4, vm0, $0xb8;
	[tilespmem:$0x4080] =	vst v63  }
0x55: {  	_ = 	snop  }
0x56: {  	[tilespmem:s13], [sflag:$0x1] =	stream.indirect_vreg.gather [hbm4b:s2+s4], $0x80, v3, vm0, $0xb8;
	[tilespmem:$0x4080] =	vst v63  }
0x57: {  	v3 =	vld [tilespmem:$0x20];
	_ =	sdelay $0x4  }
0x58: {  	v62 =	vshll.u32 v3, $0x1  }
0x59: {  	v3 =	vand.u32 $0x7, v3;
	v4 =	vand.u32 $0xFFFFFFF0, v62  }
0x5a: {  	v3 =	vor.u32 v3, v4  }
0x5b: {  	v4 =	vperm.xlane v3, v0;
	_ =	sdelay $0x1  }
0x5c: {  	v3 =	vperm.xlane v3, v2;
	v4 =	vadd.s32 v1, v4;
	_ =	sdelay $0x1  }
0x5d: {  	v3 =	vadd.s32 v1, v3;
	_ =	sdelay $0x2  }
0x5e: {  	[tilespmem:s14], [sflag:$0x1] =	stream.indirect_vreg.gather [hbm4b:s2+s4], $0x80, v4, vm0, $0xb8;
	[tilespmem:$0x4080] =	vst v63  }
0x5f: {  	_ = 	snop  }
0x60: {  	[tilespmem:s15], [sflag:$0x1] =	stream.indirect_vreg.gather [hbm4b:s2+s4], $0x80, v3, vm0, $0xb8;
	[tilespmem:$0x4080] =	vst v63  }
0x61: {  	v3 =	vld [tilespmem:$0x30];
	_ =	sdelay $0x4  }
0x62: {  	v63 =	vshll.u32 v3, $0x1  }
0x63: {  	v3 =	vand.u32 $0x7, v3;
	v4 =	vand.u32 $0xFFFFFFF0, v63  }
0x64: {  	v3 =	vor.u32 v3, v4  }
0x65: {  	v4 =	vperm.xlane v3, v0;
	_ =	sdelay $0x1  }
0x66: {  	v3 =	vperm.xlane v3, v2;
	v4 =	vadd.s32 v1, v4;
	_ =	sdelay $0x1  }
0x67: {  	v3 =	vadd.s32 v1, v3;
	_ =	sdelay $0x2  }
0x68: {  	[tilespmem:s16], [sflag:$0x1] =	stream.indirect_vreg.gather [hbm4b:s2+s4], $0x80, v4, vm0, $0xb8;
	[tilespmem:$0x4080] =	vst v63  }
0x69: {  	_ = 	snop  }
0x6a: {  	[tilespmem:s17], [sflag:$0x1] =	stream.indirect_vreg.gather [hbm4b:s2+s4], $0x80, v3, vm0, $0xb8;
	[tilespmem:$0x4080] =	vst v63  }
0x6b: {  	_ =	swait.ge [sflag:s18], $0x4000  }
0x6c: {  	p0 =	sne.s32 s8, $0x1;
	[sflag:s18] =	ssyncset.done $0x0  }
.Ltmp0:
0x6d: {  	[sflag:s18] =	ssyncadd.s32 $0xFFFFC000;
	(pc) =	sbr.rel @p0 .LBB2_1-.Ltmp0, $4  }
0x6e: {  	[hbm4b:s7+s4] =	stream.linear.scatter [tilespmem:s10], [sflag:$0x2], $0x4000, $0x38;
	[tilespmem:$0x4080] =	vst v63  }
0x6f: {  	_ =	swait.ge [sflag:s9], $0x4000  }
0x70: {  	[sflag:s9] =	ssyncset.done $0x0  }
0x71: {  	s8 =	sadd.s32 $0xFFFFFFFF, s8;
	[sflag:s9] =	ssyncadd.s32 $0xFFFFC000  }
0x72: {  	_ =	sfence.sel $0x180000  }
0x73: {  	[bflag:$0x0] =	sbarrier.arrive $0xFFFF  }
0x74: {  	p0 =	sne.s32 s3, $0x0;
	_ =	strace $0x90000047  }
0x75: {  	s0 =	sadd.s32 @!p0 $0x100000, s0;
	[bflag:$0x2] =	sbarrier.arrive $0xFFFF  }
0x76: {  	[sflag:s0] =	ssyncadd.tile.s32 @!p0 $0x1;
	_ =	shalt  }
.Lfunc_end2:
_tile_overlayer_lowered:
.L_overlay_start_2:
0x77: {  	(tag) =	ssettag $0x2  }
0x78: {  	s0 =	rddreg [dreg:$0x0];
	s2 =	stileid.u32  }
0x79: {  	s1 =	rddreg [dreg:$0x1];
	p0 =	sne.s32 s2, $0x0  }
0x7a: {  	s3 =	rddreg [dreg:$0x2];
	[bflag:$0x3] =	sbarrier.arrive $0xFFFF;
	s2 =	simm.s32 @!p0 $0x1C02  }
0x7b: {  	[timem:s3], [sflag:s2] =	dma.local @!p0 [hbm:s0], s1  }
0x7c: {  	s0 =	simm.s32 @!p0 $0x2  }
0x7d: {  	_ =	swait.ge @!p0 [sflag:s0], s1  }
0x7e: {  	s1 =	ssub.s32 @!p0 $0x0, s1;
	[sflag:s0] =	ssyncset.done @!p0 $0x0  }
0x7f: {  	[sflag:s0] =	ssyncadd.s32 @!p0 s1  }
0x80: {  	[bflag:$0x3] =	sbarrier.arrive $0xFFFF  }
0x81: {  	_ =	shalt  }

</sc_bundles>
